<compile_context>
chip_gen: v7x
topology: tpu7x:2x2x1
jax: 0.10.2.dev20260603
libtpu: 0.0.44.dev20260713+nightly
codegen_flags: <defaults>
</compile_context>

<pallas_src>
import functools

import jax
import jax.numpy as jnp
from jax import lax
from jax.experimental import pallas as pl
from jax.experimental.pallas import tpu as pltpu
from jax.experimental.pallas import tpu_sc as plsc

_C = 2000
_H = 32
_E = 32
_B = 64
_SEQ = 6
_NSTEP = _SEQ - 1
_NIDX = _NSTEP * _B
_PAD = 384
_PADR = 512
_CW = 2048
_EW = 128


def _sc_gather_body(gtabT, etab, idxr, idxe, rv_out, em_out,
                    idxr_v, idxe_v, rows_v, erows_v, sem):
    nc = plsc.get_sparse_core_info().num_cores
    wid = lax.axis_index("s") * nc + lax.axis_index("c")
    baser = wid * 16
    pltpu.sync_copy(idxr.at[pl.ds(baser, 16)], idxr_v)
    pltpu.async_copy(gtabT.at[idxr_v], rows_v, sem).wait()
    pltpu.sync_copy(rows_v, rv_out.at[pl.ds(baser, 16)])
    base = wid * 24
    pltpu.sync_copy(idxe.at[pl.ds(base, 24)], idxe_v)
    pltpu.async_copy(etab.at[idxe_v], erows_v, sem).wait()
    pltpu.sync_copy(erows_v, em_out.at[pl.ds(base, 24)])


def _sc_gather(gtabT, etab, idxr, idxe):
    mesh = plsc.VectorSubcoreMesh(core_axis_name="c", subcore_axis_name="s")
    fn = functools.partial(
        pl.kernel,
        mesh=mesh,
        out_type=[
            jax.ShapeDtypeStruct((_PADR, _CW), jnp.float32),
            jax.ShapeDtypeStruct((2 * _PAD, _EW), jnp.float32),
        ],
        scratch_types=[
            pltpu.VMEM((16,), jnp.int32),
            pltpu.VMEM((24,), jnp.int32),
            pltpu.VMEM((16, _CW), jnp.float32),
            pltpu.VMEM((24, _EW), jnp.float32),
            pltpu.SemaphoreType.DMA,
        ],
    )(_sc_gather_body)
    return fn(gtabT, etab, idxr, idxe)


def _tc_body(qs, reT, ecqT, rv_all, graph, embcT, eaw,
             WA, b01, WU, WV, W2T, b2c, g01, bt01,
             WEAo, bEA, WG, bg,
             fsW1, fsb1, fsW2, fsb2, fsg, fsbt,
             wp, bpv, out_ref, ht_s, u_cache):
    f32 = jnp.float32
    dot = functools.partial(jnp.dot, preferred_element_type=f32)

    def relu(x):
        return jnp.maximum(x, 0.0)

    ht_s[...] = jnp.zeros((_B * _H, _CW), f32)
    WAv, WUv, WVv, W2Tv = WA[...], WU[...], WV[...], W2T[...]
    WEAv, WGv = WEAo[...], WG[...]
    b01v, b2cv, bEAv, bgv = b01[...], b2c[...], bEA[...], bg[...]
    g01v, bt01v = g01[...], bt01[...]
    fsW1v, fsW2v = fsW1[...], fsW2[...]
    fsb1v, fsb2v, fsgv, fsbtv = fsb1[...], fsb2[...], fsg[...], fsbt[...]
    wpv, eawv = wp[...], eaw[...]
    ecv = dot(WVv, embcT[...])
    lane = lax.broadcasted_iota(jnp.int32, (1, _CW), 1)
    valid = (lane < _C).astype(f32)
    bcol = lax.broadcasted_iota(jnp.int32, (_B, 1), 0)
    brow = lax.broadcasted_iota(jnp.int32, (1, _B), 1)
    inv_n = f32(1.0 / (_B * _C))
    WA_h = WAv[:, :_H]
    zpad = jnp.zeros((1, _CW - _C), f32)

    def _next_consts(j):
        reTj = reT[:, j * _B:(j + 1) * _B]
        ecqTj = ecqT[:, j * _B:(j + 1) * _B]
        sext = dot(WAv[:, _H:], reTj) + b01v
        d01T = dot(WVv, reTj - ecqTj)
        return sext, d01T

    zs = jnp.zeros((2 * _H, 1), f32)

    sext0, d01T0 = _next_consts(0)

    def _pa0(b, carry):
        ssum, ssq = carry
        ohc = (bcol == b).astype(f32)
        s_c = dot(sext0, ohc)
        d_c = dot(d01T0, ohc)
        mq = (lane == qs[b, 0]).astype(f32)
        zT = s_c + ecv + d_c * mq
        uT = relu(dot(W2Tv, relu(zT)) + b2cv) * valid
        u_cache[pl.ds(b * 2 * _H, 2 * _H), :] = uT.astype(jnp.bfloat16)
        return (ssum + jnp.sum(uT, axis=1, keepdims=True),
                ssq + jnp.sum(uT * uT, axis=1, keepdims=True))

    ssum, ssq = lax.fori_loop(0, _B, _pa0, (zs, zs))

    selfhT = jnp.zeros((_H, _B), f32)
    for i in range(_NSTEP):
        mu01 = ssum * inv_n
        var01 = ssq * inv_n - mu01 * mu01
        sc01 = g01v * lax.rsqrt(var01 + 1e-5)
        sh01 = bt01v - mu01 * sc01

        reTi = reT[:, i * _B:(i + 1) * _B]
        shT = jnp.concatenate([selfhT, reTi], axis=0)
        h1 = relu(dot(fsW1v, shT) + fsb1v)
        h2 = relu(dot(fsW2v, h1) + fsb2v)
        mu = jnp.mean(h2, axis=1, keepdims=True)
        va = jnp.mean((h2 - mu) * (h2 - mu), axis=1, keepdims=True)
        sfT = (h2 - mu) * lax.rsqrt(va + 1e-5) * fsgv + fsbtv

        last = i == _NSTEP - 1
        if not last:
            sextn, d01Tn = _next_consts(i + 1)

        def _merged(b, carry):
            pacc, snext, ssum2, ssq2 = carry
            X = ht_s[pl.ds(b * _H, _H), :]
            uT = u_cache[pl.ds(b * 2 * _H, 2 * _H), :].astype(f32)
            ohc = (bcol == b).astype(f32)
            mq = (lane == qs[b, i]).astype(f32)
            n01 = uT * sc01 + sh01
            n0 = n01[:_H, :]
            n1 = n01[_H:, :]
            r_adj = jnp.concatenate(
                [graph[pl.ds(qs[b, i], 1), :], zpad], axis=1)
            r_rev = rv_all[pl.ds(i * _B + b, 1), :]
            neigh = r_adj * n0 + r_rev * n1
            sf_c = dot(sfT, ohc)
            mn = neigh + mq * (sf_c - neigh)
            eT = dot(WEAv, mn) + bEAv
            eg = jax.nn.sigmoid(eT[:_H, :])
            ad = jnp.tanh(eT[_H:, :])
            m2 = mn - eawv * eg * mn + eawv * ad
            XT = jnp.concatenate([m2, X], axis=0)
            G = dot(WGv, XT) + bgv
            r = jax.nn.sigmoid(G[:_H, :])
            zg = jax.nn.sigmoid(G[_H:2 * _H, :])
            n = jnp.tanh(G[2 * _H:3 * _H, :] + r * G[3 * _H:, :])
            hn = (1.0 - zg) * n + zg * X
            ht_s[pl.ds(b * _H, _H), :] = hn
            mqn = (lane == qs[b, i + 1]).astype(f32)
            col = jnp.sum(hn * mqn, axis=1, keepdims=True)
            ohr = (brow == b).astype(f32)
            snext = snext + col * ohr
            pv = jnp.sum(col * wpv, axis=0, keepdims=True)
            pacc = pacc + pv * ohc
            if not last:
                s_c2 = dot(WA_h, col) + dot(sextn, ohc)
                d_c2 = dot(d01Tn, ohc)
                zT2 = dot(WUv, hn) + s_c2 + ecv + d_c2 * mqn
                uT2 = relu(dot(W2Tv, relu(zT2)) + b2cv) * valid
                u_cache[pl.ds(b * 2 * _H, 2 * _H), :] = uT2.astype(jnp.bfloat16)
                ssum2 = ssum2 + jnp.sum(uT2, axis=1, keepdims=True)
                ssq2 = ssq2 + jnp.sum(uT2 * uT2, axis=1, keepdims=True)
            return pacc, snext, ssum2, ssq2

        pacc, selfhT, ssum, ssq = lax.fori_loop(
            0, _B, _merged,
            (jnp.zeros((_B, 1), f32), jnp.zeros((_H, _B), f32), zs, zs))
        out_ref[:, i:i + 1] = jax.nn.sigmoid(pacc + bpv[...])


def _tc_call(args):
    return pl.pallas_call(
        _tc_body,
        out_shape=jax.ShapeDtypeStruct((_B, _NSTEP), jnp.float32),
        in_specs=[pl.BlockSpec(memory_space=pltpu.SMEM)]
        + [pl.BlockSpec(memory_space=pltpu.VMEM)] * 26,
        out_specs=pl.BlockSpec(memory_space=pltpu.VMEM),
        compiler_params=pltpu.CompilerParams(
            vmem_limit_bytes=100 * 1024 * 1024),
        scratch_shapes=[
            pltpu.VMEM((_B * _H, _CW), jnp.float32),
            pltpu.VMEM((_B * 2 * _H, _CW), jnp.bfloat16),
        ],
    )(*args)


def kernel(features, questions, emb_x, emb_c, graph, fs_W1, fs_b1, fs_W2,
           fs_b2, fs_g, fs_bt, fn0_W1, fn0_b1, fn0_W2, fn0_b2, fn0_g,
           fn0_bt, fn1_W1, fn1_b1, fn1_W2, fn1_b2, fn1_g, fn1_bt, ea_w,
           ea_We, ea_be, ea_Wa, ea_ba, gru_Wih, gru_Whh, gru_bih, gru_bhh,
           Wp, bp):
    f32 = jnp.float32
    qi = questions.astype(jnp.int32)
    xi = features.astype(jnp.int32)

    qt_flat = qi[:, :_NSTEP].T.reshape(_NIDX)
    xt_flat = xi[:, :_NSTEP].T.reshape(_NIDX)
    padz = jnp.zeros((_PAD - _NIDX,), jnp.int32)
    idxr = jnp.concatenate([qt_flat,
                            jnp.zeros((_PADR - _NIDX,), jnp.int32)])
    idxe = jnp.concatenate([xt_flat, padz, qt_flat + 2 * _C, padz])

    gtabT = jnp.pad(graph.T, ((0, 0), (0, _CW - _C)))
    etab = jnp.pad(jnp.concatenate([emb_x, emb_c[:_C, :]], axis=0),
                   ((0, 0), (0, _EW - _E)))

    rv_out, em_out = _sc_gather(gtabT, etab, idxr, idxe)
    reT = em_out[:_NIDX, :_E].T
    ecqT = em_out[_PAD:_PAD + _NIDX, :_E].T

    WA = jnp.concatenate([fn0_W1[:, :2 * _H], fn1_W1[:, :2 * _H]], axis=0)
    WU = jnp.concatenate([fn0_W1[:, 2 * _H:3 * _H],
                          fn1_W1[:, 2 * _H:3 * _H]], axis=0)
    WV = jnp.concatenate([fn0_W1[:, 3 * _H:], fn1_W1[:, 3 * _H:]], axis=0)
    b01 = jnp.concatenate([fn0_b1, fn1_b1]).reshape(2 * _H, 1)
    zH = jnp.zeros((_H, _H), f32)
    W2T = jnp.concatenate([
        jnp.concatenate([fn0_W2, zH], axis=1),
        jnp.concatenate([zH, fn1_W2], axis=1)], axis=0)
    b2c = jnp.concatenate([fn0_b2, fn1_b2]).reshape(2 * _H, 1)
    g01 = jnp.concatenate([fn0_g, fn1_g]).reshape(2 * _H, 1)
    bt01 = jnp.concatenate([fn0_bt, fn1_bt]).reshape(2 * _H, 1)
    WEAo = jnp.concatenate([ea_We, ea_Wa], axis=0)
    bEA = jnp.concatenate([ea_be, ea_ba]).reshape(2 * _H, 1)
    zH2 = jnp.zeros((_H, _H), f32)
    WG = jnp.concatenate([
        jnp.concatenate([gru_Wih[:_H], gru_Whh[:_H]], axis=1),
        jnp.concatenate([gru_Wih[_H:2 * _H], gru_Whh[_H:2 * _H]], axis=1),
        jnp.concatenate([gru_Wih[2 * _H:], zH2], axis=1),
        jnp.concatenate([zH2, gru_Whh[2 * _H:]], axis=1),
    ], axis=0)
    bg = jnp.concatenate([
        gru_bih[:2 * _H] + gru_bhh[:2 * _H],
        gru_bih[2 * _H:], gru_bhh[2 * _H:]]).reshape(4 * _H, 1)

    embcT = jnp.pad(emb_c[:_C, :].T, ((0, 0), (0, _CW - _C)))
    eaw_r = jnp.pad(ea_w, (0, _CW - _C)).reshape(1, _CW)

    args = (qi, reT, ecqT, rv_out, graph, embcT, eaw_r,
            WA, b01, WU, WV, W2T, b2c, g01, bt01,
            WEAo, bEA, WG, bg,
            fs_W1, fs_b1.reshape(_H, 1), fs_W2, fs_b2.reshape(_H, 1),
            fs_g.reshape(_H, 1), fs_bt.reshape(_H, 1),
            Wp.reshape(_H, 1), bp.reshape(1, 1))
    return _tc_call(args)

# --- scband reference (transcript-rebuilt; emitter-appended) ---
"""Pipeline reference for scband-gkt-25245817766518 (READ-ONLY COPY).

The authoritative reference and input builder live on the scoring server;
editing this copy changes nothing except your own understanding.
"""

import jax, jax.numpy as jnp
import numpy as np

C = 2000
H = 32
E = 32
RES_LEN = 2
B = 64
SEQ = 6
MLP_IN = H + E

def _mlp(x, W1, b1, W2, b2, g, bt):
    x = jax.nn.relu(jnp.matmul(x, W1.T) + b1)
    x = jax.nn.relu(jnp.matmul(x, W2.T) + b2)
    shp = x.shape
    x2 = x.reshape(-1, shp[-1])
    m = jnp.mean(x2, axis=0)
    v = jnp.var(x2, axis=0)
    x2 = (x2 - m) / jnp.sqrt(v + 1e-5) * g + bt
    return x2.reshape(shp)

def _gru(x, h, Wih, Whh, bih, bhh):
    gi = jnp.matmul(x, Wih.T) + bih
    gh = jnp.matmul(h, Whh.T) + bhh
    ir, iz, inn = jnp.split(gi, 3, axis=-1)
    hr, hz, hn = jnp.split(gh, 3, axis=-1)
    r = jax.nn.sigmoid(ir + hr)
    z = jax.nn.sigmoid(iz + hz)
    n = jnp.tanh(inn + r * hn)
    return (1.0 - z) * n + z * h

def _forward(features, questions, emb_x, emb_c, graph, fs_W1, fs_b1, fs_W2, fs_b2, fs_g, fs_bt, fn0_W1, fn0_b1, fn0_W2, fn0_b2, fn0_g, fn0_bt, fn1_W1, fn1_b1, fn1_W2, fn1_b2, fn1_g, fn1_bt, ea_w, ea_We, ea_be, ea_Wa, ea_ba, gru_Wih, gru_Whh, gru_bih, gru_bhh, Wp, bp):
    batch, seq_len = features.shape
    ht = jnp.zeros((batch, C, H), dtype=jnp.float32)
    ar = jnp.arange(batch)
    preds = []
    for i in range(seq_len - 1):
        xt = features[:, i]
        qt = questions[:, i]
        # _aggregate (qt_mask is all-True since qt in [0, C))
        one_hot_xt = jax.nn.one_hot(xt, RES_LEN * C, dtype=jnp.float32)
        res_embedding = jnp.matmul(one_hot_xt, emb_x)
        concept_embedding = jnp.broadcast_to(emb_c[:C][None, :, :], (batch, C, E))
        concept_embedding = concept_embedding.at[ar, qt].set(res_embedding)
        tmp_ht = jnp.concatenate([ht, concept_embedding], axis=-1)
        # _agg_neighbors
        self_ht = tmp_ht[ar, qt]
        self_features = _mlp(self_ht, fs_W1, fs_b1, fs_W2, fs_b2, fs_g, fs_bt)
        expanded = jnp.broadcast_to(self_ht[:, None, :], (batch, C, MLP_IN))
        neigh_ht = jnp.concatenate([expanded, tmp_ht], axis=-1)
        adj = jnp.take(graph, qt, axis=0)[:, :, None]
        rev_adj = jnp.take(graph.T, qt, axis=0)[:, :, None]
        neigh_features = adj * _mlp(neigh_ht, fn0_W1, fn0_b1, fn0_W2, fn0_b2, fn0_g, fn0_bt) + rev_adj * _mlp(neigh_ht, fn1_W1, fn1_b1, fn1_W2, fn1_b2, fn1_g, fn1_bt)
        m_next = neigh_features.at[ar, qt].set(self_features)
        # erase-add gate
        eg = jax.nn.sigmoid(jnp.matmul(m_next, ea_We.T) + ea_be)
        tmp_x = m_next - ea_w[:, None] * eg * m_next
        add_feat = jnp.tanh(jnp.matmul(m_next, ea_Wa.T) + ea_ba)
        m_next = tmp_x + ea_w[:, None] * add_feat
        # GRU update
        res = _gru(m_next.reshape(-1, H), ht.reshape(-1, H), gru_Wih, gru_Whh, gru_bih, gru_bhh)
        ht = res.reshape(batch, C, H)
        # predict + next-question pred
        y = jax.nn.sigmoid(jnp.squeeze(jnp.matmul(ht, Wp.T) + bp, axis=-1))
        q_next = questions[:, i + 1]
        pred = y[ar, q_next]
        preds.append(pred)
    return jnp.stack(preds, axis=1)

def setup_inputs(seed: int = 0):
    key = jax.random.key(seed)
    ks = jax.random.split(key, 24)
    def xav(k, shape):
        return jax.random.normal(k, shape, dtype=jnp.float32) * np.float32(np.sqrt(2.0 / (shape[0] + shape[1])))
    ku = 1.0 / np.sqrt(H)
    inp = {}
    inp['features'] = jax.random.randint(ks[0], (B, SEQ), 0, RES_LEN * C)
    inp['questions'] = jax.random.randint(ks[1], (B, SEQ), 0, C)
    inp['emb_x'] = jax.random.normal(ks[2], (RES_LEN * C, E), dtype=jnp.float32)
    inp['emb_c'] = jax.random.normal(ks[3], (C + 1, E), dtype=jnp.float32)
    inp['graph'] = (jax.random.uniform(ks[4], (C, C)) < 0.01).astype(jnp.float32)
    inp['fs_W1'] = xav(ks[5], (H, MLP_IN)); inp['fs_b1'] = jnp.full((H,), 0.1, dtype=jnp.float32)
    inp['fs_W2'] = xav(ks[6], (H, H)); inp['fs_b2'] = jnp.full((H,), 0.1, dtype=jnp.float32)
    inp['fs_g'] = jnp.ones((H,), dtype=jnp.float32); inp['fs_bt'] = jnp.zeros((H,), dtype=jnp.float32)
    inp['fn0_W1'] = xav(ks[7], (H, 2 * MLP_IN)); inp['fn0_b1'] = jnp.full((H,), 0.1, dtype=jnp.float32)
    inp['fn0_W2'] = xav(ks[8], (H, H)); inp['fn0_b2'] = jnp.full((H,), 0.1, dtype=jnp.float32)
    inp['fn0_g'] = jnp.ones((H,), dtype=jnp.float32); inp['fn0_bt'] = jnp.zeros((H,), dtype=jnp.float32)
    inp['fn1_W1'] = xav(ks[9], (H, 2 * MLP_IN)); inp['fn1_b1'] = jnp.full((H,), 0.1, dtype=jnp.float32)
    inp['fn1_W2'] = xav(ks[10], (H, H)); inp['fn1_b2'] = jnp.full((H,), 0.1, dtype=jnp.float32)
    inp['fn1_g'] = jnp.ones((H,), dtype=jnp.float32); inp['fn1_bt'] = jnp.zeros((H,), dtype=jnp.float32)
    stdv = 1.0 / np.sqrt(C)
    inp['ea_w'] = jax.random.uniform(ks[11], (C,), minval=-stdv, maxval=stdv, dtype=jnp.float32)
    inp['ea_We'] = xav(ks[12], (H, H)); inp['ea_be'] = jnp.zeros((H,), dtype=jnp.float32)
    inp['ea_Wa'] = xav(ks[13], (H, H)); inp['ea_ba'] = jnp.zeros((H,), dtype=jnp.float32)
    inp['gru_Wih'] = jax.random.uniform(ks[14], (3 * H, H), minval=-ku, maxval=ku, dtype=jnp.float32)
    inp['gru_Whh'] = jax.random.uniform(ks[15], (3 * H, H), minval=-ku, maxval=ku, dtype=jnp.float32)
    inp['gru_bih'] = jax.random.uniform(ks[16], (3 * H,), minval=-ku, maxval=ku, dtype=jnp.float32)
    inp['gru_bhh'] = jax.random.uniform(ks[17], (3 * H,), minval=-ku, maxval=ku, dtype=jnp.float32)
    inp['Wp'] = xav(ks[18], (1, H)); inp['bp'] = jnp.zeros((1,), dtype=jnp.float32)
    return inp

def reference(features, questions, emb_x, emb_c, graph, fs_W1, fs_b1, fs_W2, fs_b2, fs_g, fs_bt, fn0_W1, fn0_b1, fn0_W2, fn0_b2, fn0_g, fn0_bt, fn1_W1, fn1_b1, fn1_W2, fn1_b2, fn1_g, fn1_bt, ea_w, ea_We, ea_be, ea_Wa, ea_ba, gru_Wih, gru_Whh, gru_bih, gru_bhh, Wp, bp):
    return _forward(features, questions, emb_x, emb_c, graph, fs_W1, fs_b1, fs_W2, fs_b2, fs_g, fs_bt, fn0_W1, fn0_b1, fn0_W2, fn0_b2, fn0_g, fn0_bt, fn1_W1, fn1_b1, fn1_W2, fn1_b2, fn1_g, fn1_bt, ea_w, ea_We, ea_be, ea_Wa, ea_ba, gru_Wih, gru_Whh, gru_bih, gru_bhh, Wp, bp)

if __name__ == "__main__":
    import jax
    _d = setup_inputs()
    print(jax.jit(kernel)(*tuple(_d.values())))

</pallas_src>

<mosaic_0001>
#map = affine_map<(d0, d1) -> (0, 0)>
#map1 = affine_map<(d0, d1) -> (0)>
module attributes {stable_mosaic.version = 14 : i64} {
  func.func @_sc_gather_body(%arg0: i32, %arg1: i32, %arg2: memref<2000x2048xf32, #tpu.memory_space<hbm>>, %arg3: memref<6000x128xf32, #tpu.memory_space<hbm>>, %arg4: memref<512xi32, #tpu.memory_space<hbm>>, %arg5: memref<768xi32, #tpu.memory_space<hbm>>, %arg6: memref<512x2048xf32, #tpu.memory_space<hbm>>, %arg7: memref<768x128xf32, #tpu.memory_space<hbm>>, %arg8: memref<16xi32, #tpu.memory_space<vmem>>, %arg9: memref<24xi32, #tpu.memory_space<vmem>>, %arg10: memref<16x2048xf32, #tpu.memory_space<vmem>>, %arg11: memref<24x128xf32, #tpu.memory_space<vmem>>, %arg12: memref<!tpu.dma_semaphore, #tpu.memory_space<semaphore_mem>>) attributes {dimension_semantics = [#tpu.dimension_semantics<core_parallel>, #tpu.dimension_semantics<subcore_parallel>], iteration_bounds = array<i64: 2, 16>, scalar_prefetch = 0 : i64, scratch_operands = 5 : i64, tpu.core_type = #tpu.core_type<sc_vector_subcore>, window_params = [{transform_indices = #map}, {transform_indices = #map}, {transform_indices = #map1}, {transform_indices = #map1}, {transform_indices = #map}, {transform_indices = #map}]} {
    %mul3A = arith.constant 2 : i32
    %mul3A_0 = arith.muli %arg1, %mul3A : i32
    %add3A = arith.addi %mul3A_0, %arg0 : i32
    %mul3A_1 = arith.constant 16 : i32
    %mul3A_2 = arith.muli %add3A, %mul3A_1 : i32
    "tpu.region"() ({
      %run_scoped3A = tpu.sem_alloc : memref<!tpu.dma_semaphore, #tpu.memory_space<semaphore_mem>>
      %dma_start3A_15 = tpu.memref_slice %arg4[%mul3A_2] : memref<512xi32, #tpu.memory_space<hbm>> -> memref<16xi32, #tpu.memory_space<hbm>>
      %dma_start3A_16 = tpu.memref_slice %arg4[%mul3A_2] : memref<512xi32, #tpu.memory_space<hbm>> -> memref<16xi32, #tpu.memory_space<hbm>>
      tpu.enqueue_dma source(%dma_start3A_16 : memref<16xi32, #tpu.memory_space<hbm>>) target(%arg8 : memref<16xi32, #tpu.memory_space<vmem>>) target_semaphore(%run_scoped3A : memref<!tpu.dma_semaphore, #tpu.memory_space<semaphore_mem>>)
      %dma_wait3A_17 = tpu.memref_slice %arg4[%mul3A_2] : memref<512xi32, #tpu.memory_space<hbm>> -> memref<16xi32, #tpu.memory_space<hbm>>
      %dma_wait3A_18 = tpu.memref_slice %arg4[%mul3A_2] : memref<512xi32, #tpu.memory_space<hbm>> -> memref<16xi32, #tpu.memory_space<hbm>>
      tpu.wait_dma2 semaphore(%run_scoped3A : memref<!tpu.dma_semaphore, #tpu.memory_space<semaphore_mem>>) src(%dma_wait3A_18 : memref<16xi32, #tpu.memory_space<hbm>>) dst(%arg8 : memref<16xi32, #tpu.memory_space<vmem>>)
      tpu.yield
    }) : () -> ()
    %dma_start3A = arith.constant 0 : i32
    %dma_start3A_3 = arith.constant 0 : i32
    %dma_start3A_4 = tpu.memref_slice %arg2[%dma_start3A, %dma_start3A_3] : memref<2000x2048xf32, #tpu.memory_space<hbm>> -> memref<2000x2048xf32, #tpu.memory_space<hbm>>
    tpu.enqueue_indirect_dma source(%dma_start3A_4 : memref<2000x2048xf32, #tpu.memory_space<hbm>>) target(%arg10 : memref<16x2048xf32, #tpu.memory_space<vmem>>) offsets(%arg8 : memref<16xi32, #tpu.memory_space<vmem>>) semaphore(%arg12 : memref<!tpu.dma_semaphore, #tpu.memory_space<semaphore_mem>>)
    %dma_wait3A = arith.constant 0 : i32
    %dma_wait3A_5 = arith.constant 0 : i32
    %dma_wait3A_6 = tpu.memref_slice %arg2[%dma_wait3A, %dma_wait3A_5] : memref<2000x2048xf32, #tpu.memory_space<hbm>> -> memref<2000x2048xf32, #tpu.memory_space<hbm>>
    tpu.wait_indirect_dma semaphore(%arg12 : memref<!tpu.dma_semaphore, #tpu.memory_space<semaphore_mem>>) src(%dma_wait3A_6 : memref<2000x2048xf32, #tpu.memory_space<hbm>>) dst(%arg10 : memref<16x2048xf32, #tpu.memory_space<vmem>>)
    "tpu.region"() ({
      %run_scoped3A = tpu.sem_alloc : memref<!tpu.dma_semaphore, #tpu.memory_space<semaphore_mem>>
      %dma_start3A_15 = arith.constant 0 : i32
      %dma_start3A_16 = tpu.memref_slice %arg6[%mul3A_2, %dma_start3A_15] : memref<512x2048xf32, #tpu.memory_space<hbm>> -> memref<16x2048xf32, #tpu.memory_space<hbm>>
      %dma_start3A_17 = arith.constant 0 : i32
      %dma_start3A_18 = tpu.memref_slice %arg6[%mul3A_2, %dma_start3A_17] : memref<512x2048xf32, #tpu.memory_space<hbm>> -> memref<16x2048xf32, #tpu.memory_space<hbm>>
      tpu.enqueue_dma source(%arg10 : memref<16x2048xf32, #tpu.memory_space<vmem>>) target(%dma_start3A_18 : memref<16x2048xf32, #tpu.memory_space<hbm>>) target_semaphore(%run_scoped3A : memref<!tpu.dma_semaphore, #tpu.memory_space<semaphore_mem>>)
      %dma_wait3A_19 = arith.constant 0 : i32
      %dma_wait3A_20 = tpu.memref_slice %arg6[%mul3A_2, %dma_wait3A_19] : memref<512x2048xf32, #tpu.memory_space<hbm>> -> memref<16x2048xf32, #tpu.memory_space<hbm>>
      %dma_wait3A_21 = arith.constant 0 : i32
      %dma_wait3A_22 = tpu.memref_slice %arg6[%mul3A_2, %dma_wait3A_21] : memref<512x2048xf32, #tpu.memory_space<hbm>> -> memref<16x2048xf32, #tpu.memory_space<hbm>>
      tpu.wait_dma2 semaphore(%run_scoped3A : memref<!tpu.dma_semaphore, #tpu.memory_space<semaphore_mem>>) src(%arg10 : memref<16x2048xf32, #tpu.memory_space<vmem>>) dst(%dma_wait3A_22 : memref<16x2048xf32, #tpu.memory_space<hbm>>)
      tpu.yield
    }) : () -> ()
    %mul3A_7 = arith.constant 24 : i32
    %mul3A_8 = arith.muli %add3A, %mul3A_7 : i32
    "tpu.region"() ({
      %run_scoped3A = tpu.sem_alloc : memref<!tpu.dma_semaphore, #tpu.memory_space<semaphore_mem>>
      %dma_start3A_15 = tpu.memref_slice %arg5[%mul3A_8] : memref<768xi32, #tpu.memory_space<hbm>> -> memref<24xi32, #tpu.memory_space<hbm>>
      %dma_start3A_16 = tpu.memref_slice %arg5[%mul3A_8] : memref<768xi32, #tpu.memory_space<hbm>> -> memref<24xi32, #tpu.memory_space<hbm>>
      tpu.enqueue_dma source(%dma_start3A_16 : memref<24xi32, #tpu.memory_space<hbm>>) target(%arg9 : memref<24xi32, #tpu.memory_space<vmem>>) target_semaphore(%run_scoped3A : memref<!tpu.dma_semaphore, #tpu.memory_space<semaphore_mem>>)
      %dma_wait3A_17 = tpu.memref_slice %arg5[%mul3A_8] : memref<768xi32, #tpu.memory_space<hbm>> -> memref<24xi32, #tpu.memory_space<hbm>>
      %dma_wait3A_18 = tpu.memref_slice %arg5[%mul3A_8] : memref<768xi32, #tpu.memory_space<hbm>> -> memref<24xi32, #tpu.memory_space<hbm>>
      tpu.wait_dma2 semaphore(%run_scoped3A : memref<!tpu.dma_semaphore, #tpu.memory_space<semaphore_mem>>) src(%dma_wait3A_18 : memref<24xi32, #tpu.memory_space<hbm>>) dst(%arg9 : memref<24xi32, #tpu.memory_space<vmem>>)
      tpu.yield
    }) : () -> ()
    %dma_start3A_9 = arith.constant 0 : i32
    %dma_start3A_10 = arith.constant 0 : i32
    %dma_start3A_11 = tpu.memref_slice %arg3[%dma_start3A_9, %dma_start3A_10] : memref<6000x128xf32, #tpu.memory_space<hbm>> -> memref<6000x128xf32, #tpu.memory_space<hbm>>
    tpu.enqueue_indirect_dma source(%dma_start3A_11 : memref<6000x128xf32, #tpu.memory_space<hbm>>) target(%arg11 : memref<24x128xf32, #tpu.memory_space<vmem>>) offsets(%arg9 : memref<24xi32, #tpu.memory_space<vmem>>) semaphore(%arg12 : memref<!tpu.dma_semaphore, #tpu.memory_space<semaphore_mem>>)
    %dma_wait3A_12 = arith.constant 0 : i32
    %dma_wait3A_13 = arith.constant 0 : i32
    %dma_wait3A_14 = tpu.memref_slice %arg3[%dma_wait3A_12, %dma_wait3A_13] : memref<6000x128xf32, #tpu.memory_space<hbm>> -> memref<6000x128xf32, #tpu.memory_space<hbm>>
    tpu.wait_indirect_dma semaphore(%arg12 : memref<!tpu.dma_semaphore, #tpu.memory_space<semaphore_mem>>) src(%dma_wait3A_14 : memref<6000x128xf32, #tpu.memory_space<hbm>>) dst(%arg11 : memref<24x128xf32, #tpu.memory_space<vmem>>)
    "tpu.region"() ({
      %run_scoped3A = tpu.sem_alloc : memref<!tpu.dma_semaphore, #tpu.memory_space<semaphore_mem>>
      %dma_start3A_15 = arith.constant 0 : i32
      %dma_start3A_16 = tpu.memref_slice %arg7[%mul3A_8, %dma_start3A_15] : memref<768x128xf32, #tpu.memory_space<hbm>> -> memref<24x128xf32, #tpu.memory_space<hbm>>
      %dma_start3A_17 = arith.constant 0 : i32
      %dma_start3A_18 = tpu.memref_slice %arg7[%mul3A_8, %dma_start3A_17] : memref<768x128xf32, #tpu.memory_space<hbm>> -> memref<24x128xf32, #tpu.memory_space<hbm>>
      tpu.enqueue_dma source(%arg11 : memref<24x128xf32, #tpu.memory_space<vmem>>) target(%dma_start3A_18 : memref<24x128xf32, #tpu.memory_space<hbm>>) target_semaphore(%run_scoped3A : memref<!tpu.dma_semaphore, #tpu.memory_space<semaphore_mem>>)
      %dma_wait3A_19 = arith.constant 0 : i32
      %dma_wait3A_20 = tpu.memref_slice %arg7[%mul3A_8, %dma_wait3A_19] : memref<768x128xf32, #tpu.memory_space<hbm>> -> memref<24x128xf32, #tpu.memory_space<hbm>>
      %dma_wait3A_21 = arith.constant 0 : i32
      %dma_wait3A_22 = tpu.memref_slice %arg7[%mul3A_8, %dma_wait3A_21] : memref<768x128xf32, #tpu.memory_space<hbm>> -> memref<24x128xf32, #tpu.memory_space<hbm>>
      tpu.wait_dma2 semaphore(%run_scoped3A : memref<!tpu.dma_semaphore, #tpu.memory_space<semaphore_mem>>) src(%arg11 : memref<24x128xf32, #tpu.memory_space<vmem>>) dst(%dma_wait3A_22 : memref<24x128xf32, #tpu.memory_space<hbm>>)
      tpu.yield
    }) : () -> ()
    return
  }
}

module attributes {stable_mosaic.version = 14 : i64} {
  func.func @_tc_body(%arg0: memref<64x6xi32, #tpu.memory_space<smem>>, %arg1: memref<32x320xf32, #tpu.memory_space<vmem>>, %arg2: memref<32x320xf32, #tpu.memory_space<vmem>>, %arg3: memref<512x2048xf32, #tpu.memory_space<vmem>>, %arg4: memref<2000x2000xf32, #tpu.memory_space<vmem>>, %arg5: memref<32x2048xf32, #tpu.memory_space<vmem>>, %arg6: memref<1x2048xf32, #tpu.memory_space<vmem>>, %arg7: memref<64x64xf32, #tpu.memory_space<vmem>>, %arg8: memref<64x1xf32, #tpu.memory_space<vmem>>, %arg9: memref<64x32xf32, #tpu.memory_space<vmem>>, %arg10: memref<64x32xf32, #tpu.memory_space<vmem>>, %arg11: memref<64x64xf32, #tpu.memory_space<vmem>>, %arg12: memref<64x1xf32, #tpu.memory_space<vmem>>, %arg13: memref<64x1xf32, #tpu.memory_space<vmem>>, %arg14: memref<64x1xf32, #tpu.memory_space<vmem>>, %arg15: memref<64x32xf32, #tpu.memory_space<vmem>>, %arg16: memref<64x1xf32, #tpu.memory_space<vmem>>, %arg17: memref<128x64xf32, #tpu.memory_space<vmem>>, %arg18: memref<128x1xf32, #tpu.memory_space<vmem>>, %arg19: memref<32x64xf32, #tpu.memory_space<vmem>>, %arg20: memref<32x1xf32, #tpu.memory_space<vmem>>, %arg21: memref<32x32xf32, #tpu.memory_space<vmem>>, %arg22: memref<32x1xf32, #tpu.memory_space<vmem>>, %arg23: memref<32x1xf32, #tpu.memory_space<vmem>>, %arg24: memref<32x1xf32, #tpu.memory_space<vmem>>, %arg25: memref<32x1xf32, #tpu.memory_space<vmem>>, %arg26: memref<1x1xf32, #tpu.memory_space<vmem>>, %arg27: memref<64x5xf32, #tpu.memory_space<vmem>>, %arg28: memref<2048x2048xf32, #tpu.memory_space<vmem>>, %arg29: memref<4096x2048xbf16, #tpu.memory_space<vmem>>) attributes {dimension_semantics = [], scalar_prefetch = 0 : i64, scratch_operands = 2 : i64, tpu.core_type = #tpu.core_type<tc>} {
    %broadcast_in_dim3A = arith.constant 0.000000e+00 : f32
    %broadcast_in_dim3A_0 = vector.broadcast %broadcast_in_dim3A : f32 to vector<2048x2048xf32>
    %swap3A = arith.constant 0 : index
    %swap3A_1 = arith.constant 0 : index
    %swap3A_2 = vector.load %arg28[%swap3A, %swap3A_1] : memref<2048x2048xf32, #tpu.memory_space<vmem>>, vector<2048x2048xf32>
    tpu.vector_store %arg28[%swap3A, %swap3A_1], %broadcast_in_dim3A_0 {strides = array<i32>} : memref<2048x2048xf32, #tpu.memory_space<vmem>>, vector<2048x2048xf32>,
    %get3A = arith.constant 0 : index
    %get3A_3 = arith.constant 0 : index
    %get3A_4 = vector.load %arg7[%get3A, %get3A_3] : memref<64x64xf32, #tpu.memory_space<vmem>>, vector<64x64xf32>
    %get3A_5 = arith.constant 0 : index
    %get3A_6 = arith.constant 0 : index
    %get3A_7 = vector.load %arg9[%get3A_5, %get3A_6] : memref<64x32xf32, #tpu.memory_space<vmem>>, vector<64x32xf32>
    %get3A_8 = arith.constant 0 : index
    %get3A_9 = arith.constant 0 : index
    %get3A_10 = vector.load %arg10[%get3A_8, %get3A_9] : memref<64x32xf32, #tpu.memory_space<vmem>>, vector<64x32xf32>
    %get3A_11 = arith.constant 0 : index
    %get3A_12 = arith.constant 0 : index
    %get3A_13 = vector.load %arg11[%get3A_11, %get3A_12] : memref<64x64xf32, #tpu.memory_space<vmem>>, vector<64x64xf32>
    %get3A_14 = arith.constant 0 : index
    %get3A_15 = arith.constant 0 : index
    %get3A_16 = vector.load %arg15[%get3A_14, %get3A_15] : memref<64x32xf32, #tpu.memory_space<vmem>>, vector<64x32xf32>
    %get3A_17 = arith.constant 0 : index
    %get3A_18 = arith.constant 0 : index
    %get3A_19 = vector.load %arg17[%get3A_17, %get3A_18] : memref<128x64xf32, #tpu.memory_space<vmem>>, vector<128x64xf32>
    %get3A_20 = arith.constant 0 : index
    %get3A_21 = arith.constant 0 : index
    %get3A_22 = vector.load %arg8[%get3A_20, %get3A_21] : memref<64x1xf32, #tpu.memory_space<vmem>>, vector<64x1xf32>
    %get3A_23 = arith.constant 0 : index
    %get3A_24 = arith.constant 0 : index
    %get3A_25 = vector.load %arg12[%get3A_23, %get3A_24] : memref<64x1xf32, #tpu.memory_space<vmem>>, vector<64x1xf32>
    %get3A_26 = arith.constant 0 : index
    %get3A_27 = arith.constant 0 : index
    %get3A_28 = vector.load %arg16[%get3A_26, %get3A_27] : memref<64x1xf32, #tpu.memory_space<vmem>>, vector<64x1xf32>
    %get3A_29 = arith.constant 0 : index
    %get3A_30 = arith.constant 0 : index
    %get3A_31 = vector.load %arg18[%get3A_29, %get3A_30] : memref<128x1xf32, #tpu.memory_space<vmem>>, vector<128x1xf32>
    %get3A_32 = arith.constant 0 : index
    %get3A_33 = arith.constant 0 : index
    %get3A_34 = vector.load %arg13[%get3A_32, %get3A_33] : memref<64x1xf32, #tpu.memory_space<vmem>>, vector<64x1xf32>
    %get3A_35 = arith.constant 0 : index
    %get3A_36 = arith.constant 0 : index
    %get3A_37 = vector.load %arg14[%get3A_35, %get3A_36] : memref<64x1xf32, #tpu.memory_space<vmem>>, vector<64x1xf32>
    %get3A_38 = arith.constant 0 : index
    %get3A_39 = arith.constant 0 : index
    %get3A_40 = vector.load %arg19[%get3A_38, %get3A_39] : memref<32x64xf32, #tpu.memory_space<vmem>>, vector<32x64xf32>
    %get3A_41 = arith.constant 0 : index
    %get3A_42 = arith.constant 0 : index
    %get3A_43 = vector.load %arg21[%get3A_41, %get3A_42] : memref<32x32xf32, #tpu.memory_space<vmem>>, vector<32x32xf32>
    %get3A_44 = arith.constant 0 : index
    %get3A_45 = arith.constant 0 : index
    %get3A_46 = vector.load %arg20[%get3A_44, %get3A_45] : memref<32x1xf32, #tpu.memory_space<vmem>>, vector<32x1xf32>
    %get3A_47 = arith.constant 0 : index
    %get3A_48 = arith.constant 0 : index
    %get3A_49 = vector.load %arg22[%get3A_47, %get3A_48] : memref<32x1xf32, #tpu.memory_space<vmem>>, vector<32x1xf32>
    %get3A_50 = arith.constant 0 : index
    %get3A_51 = arith.constant 0 : index
    %get3A_52 = vector.load %arg23[%get3A_50, %get3A_51] : memref<32x1xf32, #tpu.memory_space<vmem>>, vector<32x1xf32>
    %get3A_53 = arith.constant 0 : index
    %get3A_54 = arith.constant 0 : index
    %get3A_55 = vector.load %arg24[%get3A_53, %get3A_54] : memref<32x1xf32, #tpu.memory_space<vmem>>, vector<32x1xf32>
    %get3A_56 = arith.constant 0 : index
    %get3A_57 = arith.constant 0 : index
    %get3A_58 = vector.load %arg25[%get3A_56, %get3A_57] : memref<32x1xf32, #tpu.memory_space<vmem>>, vector<32x1xf32>
    %get3A_59 = arith.constant 0 : index
    %get3A_60 = arith.constant 0 : index
    %get3A_61 = vector.load %arg6[%get3A_59, %get3A_60] : memref<1x2048xf32, #tpu.memory_space<vmem>>, vector<1x2048xf32>
    %get3A_62 = arith.constant 0 : index
    %get3A_63 = arith.constant 0 : index
    %get3A_64 = vector.load %arg5[%get3A_62, %get3A_63] : memref<32x2048xf32, #tpu.memory_space<vmem>>, vector<32x2048xf32>
    %dot_general3A = arith.constant dense<0.000000e+00> : vector<64x2048xf32>
    %dot_general3A_65 = tpu.matmul %get3A_10, %get3A_64, %dot_general3A {dimension_numbers = #tpu.dot_dimension_numbers<[1], [0], [0], [1], [0, 0, 1, 1], [], []>, transpose_lhs_hint = false} : vector<64x32xf32>, vector<32x2048xf32>, vector<64x2048xf32> -> vector<64x2048xf32>
    %iota3A = tpu.iota {dimensions = array<i32: 1>} : vector<1x2048xi32>
    %lt3A = arith.constant 2000 : i32
    %lt3A_66 = vector.broadcast %lt3A : i32 to vector<1x2048xi32>
    %lt3A_67 = arith.cmpi slt, %iota3A, %lt3A_66 : vector<1x2048xi32>
    %convert_element_type3A = arith.extui %lt3A_67 : vector<1x2048xi1> to vector<1x2048xi32>
    %convert_element_type3A_68 = arith.sitofp %convert_element_type3A : vector<1x2048xi32> to vector<1x2048xf32>
    %iota3A_69 = tpu.iota {dimensions = array<i32: 0>} : vector<64x1xi32>
    %iota3A_70 = tpu.iota {dimensions = array<i32: 1>} : vector<1x64xi32>
    %slice3A = vector.extract_strided_slice %get3A_4 {offsets = [0, 0], sizes = [64, 32], strides = [1, 1]} : vector<64x64xf32> to vector<64x32xf32>
    %broadcast_in_dim3A_71 = arith.constant 0.000000e+00 : f32
    %broadcast_in_dim3A_72 = vector.broadcast %broadcast_in_dim3A_71 : f32 to vector<1x48xf32>
    %broadcast_in_dim3A_73 = arith.constant 0.000000e+00 : f32
    %broadcast_in_dim3A_74 = vector.broadcast %broadcast_in_dim3A_73 : f32 to vector<64x1xf32>
    %get3A_75 = arith.constant 0 : index
    %get3A_76 = arith.constant 0 : index
    %get3A_77 = vector.load %arg1[%get3A_75, %get3A_76] : memref<32x320xf32, #tpu.memory_space<vmem>>, vector<32x64xf32>
    %get3A_78 = arith.constant 0 : index
    %get3A_79 = arith.constant 0 : index
    %get3A_80 = vector.load %arg2[%get3A_78, %get3A_79] : memref<32x320xf32, #tpu.memory_space<vmem>>, vector<32x64xf32>
    %slice3A_81 = vector.extract_strided_slice %get3A_4 {offsets = [0, 32], sizes = [64, 32], strides = [1, 1]} : vector<64x64xf32> to vector<64x32xf32>
    %dot_general3A_82 = arith.constant dense<0.000000e+00> : vector<64x64xf32>
    %dot_general3A_83 = tpu.matmul %slice3A_81, %get3A_77, %dot_general3A_82 {dimension_numbers = #tpu.dot_dimension_numbers<[1], [0], [0], [1], [0, 0, 1, 1], [], []>, transpose_lhs_hint = false} : vector<64x32xf32>, vector<32x64xf32>, vector<64x64xf32> -> vector<64x64xf32>
    %add3A = vector.broadcast %get3A_22 : vector<64x1xf32> to vector<64x64xf32>
    %add3A_84 = arith.addf %dot_general3A_83, %add3A : vector<64x64xf32>
    %sub3A = arith.subf %get3A_77, %get3A_80 : vector<32x64xf32>
    %dot_general3A_85 = arith.constant dense<0.000000e+00> : vector<64x64xf32>
    %dot_general3A_86 = tpu.matmul %get3A_10, %sub3A, %dot_general3A_85 {dimension_numbers = #tpu.dot_dimension_numbers<[1], [0], [0], [1], [0, 0, 1, 1], [], []>, transpose_lhs_hint = false} : vector<64x32xf32>, vector<32x64xf32>, vector<64x64xf32> -> vector<64x64xf32>
    %scan3A = arith.constant 0 : i32
    %scan3A_87 = arith.constant 64 : i32
    %scan3A_88 = arith.addi %scan3A, %scan3A_87 : i32
    %scan3A_89 = arith.constant 1 : i32
    %scan3A_90:2 = scf.for %scan3A_571 = %scan3A to %scan3A_88 step %scan3A_89 iter_args(%scan3A_572 = %broadcast_in_dim3A_74, %scan3A_573 = %broadcast_in_dim3A_74) -> (vector<64x1xf32>, vector<64x1xf32>)  : i32 {
      %eq3A = vector.broadcast %scan3A_571 : i32 to vector<64x1xi32>
      %eq3A_574 = arith.cmpi eq, %iota3A_69, %eq3A : vector<64x1xi32>
      %convert_element_type3A_575 = arith.extui %eq3A_574 : vector<64x1xi1> to vector<64x1xi32>
      %convert_element_type3A_576 = arith.sitofp %convert_element_type3A_575 : vector<64x1xi32> to vector<64x1xf32>
      %dot_general3A_577 = arith.constant dense<0.000000e+00> : vector<64x1xf32>
      %dot_general3A_578 = tpu.matmul %add3A_84, %convert_element_type3A_576, %dot_general3A_577 {dimension_numbers = #tpu.dot_dimension_numbers<[1], [0], [0], [1], [0, 0, 1, 1], [], []>, transpose_lhs_hint = false} : vector<64x64xf32>, vector<64x1xf32>, vector<64x1xf32> -> vector<64x1xf32>
      %dot_general3A_579 = arith.constant dense<0.000000e+00> : vector<64x1xf32>
      %dot_general3A_580 = tpu.matmul %dot_general3A_86, %convert_element_type3A_576, %dot_general3A_579 {dimension_numbers = #tpu.dot_dimension_numbers<[1], [0], [0], [1], [0, 0, 1, 1], [], []>, transpose_lhs_hint = false} : vector<64x64xf32>, vector<64x1xf32>, vector<64x1xf32> -> vector<64x1xf32>
      %get3A_581 = arith.index_cast %scan3A_571 : i32 to index
      %get3A_582 = arith.constant 0 : index
      %get3A_583 = memref.load %arg0[%get3A_581, %get3A_582] : memref<64x6xi32, #tpu.memory_space<smem>>
      %eq3A_584 = vector.broadcast %get3A_583 : i32 to vector<1x2048xi32>
      %eq3A_585 = arith.cmpi eq, %iota3A, %eq3A_584 : vector<1x2048xi32>
      %convert_element_type3A_586 = arith.extui %eq3A_585 : vector<1x2048xi1> to vector<1x2048xi32>
      %convert_element_type3A_587 = arith.sitofp %convert_element_type3A_586 : vector<1x2048xi32> to vector<1x2048xf32>
      %add3A_588 = vector.broadcast %dot_general3A_578 : vector<64x1xf32> to vector<64x2048xf32>
      %add3A_589 = arith.addf %add3A_588, %dot_general3A_65 : vector<64x2048xf32>
      %mul3A_590 = vector.broadcast %dot_general3A_580 : vector<64x1xf32> to vector<64x2048xf32>
      %mul3A_591 = vector.broadcast %convert_element_type3A_587 : vector<1x2048xf32> to vector<64x2048xf32>
      %mul3A_592 = arith.mulf %mul3A_590, %mul3A_591 : vector<64x2048xf32>
      %add3A_593 = arith.addf %add3A_589, %mul3A_592 : vector<64x2048xf32>
      %max3A_594 = arith.constant 0.000000e+00 : f32
      %max3A_595 = vector.broadcast %max3A_594 : f32 to vector<64x2048xf32>
      %max3A_596 = arith.maximumf %add3A_593, %max3A_595 : vector<64x2048xf32>
      %dot_general3A_597 = arith.constant dense<0.000000e+00> : vector<64x2048xf32>
      %dot_general3A_598 = tpu.matmul %get3A_13, %max3A_596, %dot_general3A_597 {dimension_numbers = #tpu.dot_dimension_numbers<[1], [0], [0], [1], [0, 0, 1, 1], [], []>, transpose_lhs_hint = false} : vector<64x64xf32>, vector<64x2048xf32>, vector<64x2048xf32> -> vector<64x2048xf32>
      %add3A_599 = vector.broadcast %get3A_25 : vector<64x1xf32> to vector<64x2048xf32>
      %add3A_600 = arith.addf %dot_general3A_598, %add3A_599 : vector<64x2048xf32>
      %max3A_601 = arith.constant 0.000000e+00 : f32
      %max3A_602 = vector.broadcast %max3A_601 : f32 to vector<64x2048xf32>
      %max3A_603 = arith.maximumf %add3A_600, %max3A_602 : vector<64x2048xf32>
      %mul3A_604 = vector.broadcast %convert_element_type3A_68 : vector<1x2048xf32> to vector<64x2048xf32>
      %mul3A_605 = arith.mulf %max3A_603, %mul3A_604 : vector<64x2048xf32>
      %convert_element_type3A_606 = arith.truncf %mul3A_605 : vector<64x2048xf32> to vector<64x2048xbf16>
      %mul3A_607 = arith.constant 2 : i32
      %mul3A_608 = arith.muli %scan3A_571, %mul3A_607 : i32
      %mul3A_609 = arith.constant 32 : i32
      %mul3A_610 = arith.muli %mul3A_608, %mul3A_609 : i32
      %swap3A_611 = arith.index_cast %mul3A_610 : i32 to index
      %swap3A_612 = arith.constant 0 : index
      %swap3A_613 = vector.load %arg29[%swap3A_611, %swap3A_612] : memref<4096x2048xbf16, #tpu.memory_space<vmem>>, vector<64x2048xbf16>
      tpu.vector_store %arg29[%swap3A_611, %swap3A_612], %convert_element_type3A_606 {strides = array<i32>} : memref<4096x2048xbf16, #tpu.memory_space<vmem>>, vector<64x2048xbf16>,
      %reduce_sum3A_614 = arith.constant dense<0.000000e+00> : vector<64xf32>
      %reduce_sum3A_615 = vector.multi_reduction <add>, %mul3A_605, %reduce_sum3A_614 [1] : vector<64x2048xf32> to vector<64xf32>
      %broadcast_in_dim3A_616 = vector.shape_cast %reduce_sum3A_615 : vector<64xf32> to vector<64x1xf32>
      %add3A_617 = arith.addf %scan3A_572, %broadcast_in_dim3A_616 : vector<64x1xf32>
      %mul3A_618 = arith.mulf %mul3A_605, %mul3A_605 : vector<64x2048xf32>
      %reduce_sum3A_619 = arith.constant dense<0.000000e+00> : vector<64xf32>
      %reduce_sum3A_620 = vector.multi_reduction <add>, %mul3A_618, %reduce_sum3A_619 [1] : vector<64x2048xf32> to vector<64xf32>
      %broadcast_in_dim3A_621 = vector.shape_cast %reduce_sum3A_620 : vector<64xf32> to vector<64x1xf32>
      %add3A_622 = arith.addf %scan3A_573, %broadcast_in_dim3A_621 : vector<64x1xf32>
      scf.yield %add3A_617, %add3A_622 : vector<64x1xf32>, vector<64x1xf32>
    }
    %scan3A_91 = arith.constant 64 : i32
    %broadcast_in_dim3A_92 = arith.constant 0.000000e+00 : f32
    %broadcast_in_dim3A_93 = vector.broadcast %broadcast_in_dim3A_92 : f32 to vector<32x64xf32>
    %mul3A = arith.constant 7.812500e-06 : f32
    %mul3A_94 = vector.broadcast %mul3A : f32 to vector<64x1xf32>
    %mul3A_95 = arith.mulf %scan3A_90#0, %mul3A_94 : vector<64x1xf32>
    %mul3A_96 = arith.constant 7.812500e-06 : f32
    %mul3A_97 = vector.broadcast %mul3A_96 : f32 to vector<64x1xf32>
    %mul3A_98 = arith.mulf %scan3A_90#1, %mul3A_97 : vector<64x1xf32>
    %mul3A_99 = arith.mulf %mul3A_95, %mul3A_95 : vector<64x1xf32>
    %sub3A_100 = arith.subf %mul3A_98, %mul3A_99 : vector<64x1xf32>
    %add3A_101 = arith.constant 9.99999974E-6 : f32
    %add3A_102 = vector.broadcast %add3A_101 : f32 to vector<64x1xf32>
    %add3A_103 = arith.addf %sub3A_100, %add3A_102 : vector<64x1xf32>
    %rsqrt3A = math.rsqrt %add3A_103 : vector<64x1xf32>
    %mul3A_104 = arith.mulf %get3A_34, %rsqrt3A : vector<64x1xf32>
    %mul3A_105 = arith.mulf %mul3A_95, %mul3A_104 : vector<64x1xf32>
    %sub3A_106 = arith.subf %get3A_37, %mul3A_105 : vector<64x1xf32>
    %get3A_107 = arith.constant 0 : index
    %get3A_108 = arith.constant 0 : index
    %get3A_109 = vector.load %arg1[%get3A_107, %get3A_108] : memref<32x320xf32, #tpu.memory_space<vmem>>, vector<32x64xf32>
    %concatenate3A = tpu.concatenate %broadcast_in_dim3A_93, %get3A_109 in 0 : vector<32x64xf32>, vector<32x64xf32> -> vector<64x64xf32>
    %dot_general3A_110 = arith.constant dense<0.000000e+00> : vector<32x64xf32>
    %dot_general3A_111 = tpu.matmul %get3A_40, %concatenate3A, %dot_general3A_110 {dimension_numbers = #tpu.dot_dimension_numbers<[1], [0], [0], [1], [0, 0, 1, 1], [], []>, transpose_lhs_hint = false} : vector<32x64xf32>, vector<64x64xf32>, vector<32x64xf32> -> vector<32x64xf32>
    %add3A_112 = vector.broadcast %get3A_46 : vector<32x1xf32> to vector<32x64xf32>
    %add3A_113 = arith.addf %dot_general3A_111, %add3A_112 : vector<32x64xf32>
    %max3A = arith.constant 0.000000e+00 : f32
    %max3A_114 = vector.broadcast %max3A : f32 to vector<32x64xf32>
    %max3A_115 = arith.maximumf %add3A_113, %max3A_114 : vector<32x64xf32>
    %dot_general3A_116 = arith.constant dense<0.000000e+00> : vector<32x64xf32>
    %dot_general3A_117 = tpu.matmul %get3A_43, %max3A_115, %dot_general3A_116 {dimension_numbers = #tpu.dot_dimension_numbers<[1], [0], [0], [1], [0, 0, 1, 1], [], []>, transpose_lhs_hint = false} : vector<32x32xf32>, vector<32x64xf32>, vector<32x64xf32> -> vector<32x64xf32>
    %add3A_118 = vector.broadcast %get3A_49 : vector<32x1xf32> to vector<32x64xf32>
    %add3A_119 = arith.addf %dot_general3A_117, %add3A_118 : vector<32x64xf32>
    %max3A_120 = arith.constant 0.000000e+00 : f32
    %max3A_121 = vector.broadcast %max3A_120 : f32 to vector<32x64xf32>
    %max3A_122 = arith.maximumf %add3A_119, %max3A_121 : vector<32x64xf32>
    %reduce_sum3A = arith.constant dense<0.000000e+00> : vector<32xf32>
    %reduce_sum3A_123 = vector.multi_reduction <add>, %max3A_122, %reduce_sum3A [1] : vector<32x64xf32> to vector<32xf32>
    %broadcast_in_dim3A_124 = vector.shape_cast %reduce_sum3A_123 : vector<32xf32> to vector<32x1xf32>
    %div3A = arith.constant 6.400000e+01 : f32
    %div3A_125 = vector.broadcast %div3A : f32 to vector<32x1xf32>
    %div3A_126 = arith.divf %broadcast_in_dim3A_124, %div3A_125 : vector<32x1xf32>
    %sub3A_127 = vector.broadcast %div3A_126 : vector<32x1xf32> to vector<32x64xf32>
    %sub3A_128 = arith.subf %max3A_122, %sub3A_127 : vector<32x64xf32>
    %sub3A_129 = vector.broadcast %div3A_126 : vector<32x1xf32> to vector<32x64xf32>
    %sub3A_130 = arith.subf %max3A_122, %sub3A_129 : vector<32x64xf32>
    %mul3A_131 = arith.mulf %sub3A_128, %sub3A_130 : vector<32x64xf32>
    %reduce_sum3A_132 = arith.constant dense<0.000000e+00> : vector<32xf32>
    %reduce_sum3A_133 = vector.multi_reduction <add>, %mul3A_131, %reduce_sum3A_132 [1] : vector<32x64xf32> to vector<32xf32>
    %broadcast_in_dim3A_134 = vector.shape_cast %reduce_sum3A_133 : vector<32xf32> to vector<32x1xf32>
    %div3A_135 = arith.constant 6.400000e+01 : f32
    %div3A_136 = vector.broadcast %div3A_135 : f32 to vector<32x1xf32>
    %div3A_137 = arith.divf %broadcast_in_dim3A_134, %div3A_136 : vector<32x1xf32>
    %sub3A_138 = vector.broadcast %div3A_126 : vector<32x1xf32> to vector<32x64xf32>
    %sub3A_139 = arith.subf %max3A_122, %sub3A_138 : vector<32x64xf32>
    %add3A_140 = arith.constant 9.99999974E-6 : f32
    %add3A_141 = vector.broadcast %add3A_140 : f32 to vector<32x1xf32>
    %add3A_142 = arith.addf %div3A_137, %add3A_141 : vector<32x1xf32>
    %rsqrt3A_143 = math.rsqrt %add3A_142 : vector<32x1xf32>
    %mul3A_144 = vector.broadcast %rsqrt3A_143 : vector<32x1xf32> to vector<32x64xf32>
    %mul3A_145 = arith.mulf %sub3A_139, %mul3A_144 : vector<32x64xf32>
    %mul3A_146 = vector.broadcast %get3A_52 : vector<32x1xf32> to vector<32x64xf32>
    %mul3A_147 = arith.mulf %mul3A_145, %mul3A_146 : vector<32x64xf32>
    %add3A_148 = vector.broadcast %get3A_55 : vector<32x1xf32> to vector<32x64xf32>
    %add3A_149 = arith.addf %mul3A_147, %add3A_148 : vector<32x64xf32>
    %get3A_150 = arith.constant 0 : index
    %get3A_151 = arith.constant 64 : index
    %get3A_152 = vector.load %arg1[%get3A_150, %get3A_151] : memref<32x320xf32, #tpu.memory_space<vmem>>, vector<32x64xf32>
    %get3A_153 = arith.constant 0 : index
    %get3A_154 = arith.constant 64 : index
    %get3A_155 = vector.load %arg2[%get3A_153, %get3A_154] : memref<32x320xf32, #tpu.memory_space<vmem>>, vector<32x64xf32>
    %slice3A_156 = vector.extract_strided_slice %get3A_4 {offsets = [0, 32], sizes = [64, 32], strides = [1, 1]} : vector<64x64xf32> to vector<64x32xf32>
    %dot_general3A_157 = arith.constant dense<0.000000e+00> : vector<64x64xf32>
    %dot_general3A_158 = tpu.matmul %slice3A_156, %get3A_152, %dot_general3A_157 {dimension_numbers = #tpu.dot_dimension_numbers<[1], [0], [0], [1], [0, 0, 1, 1], [], []>, transpose_lhs_hint = false} : vector<64x32xf32>, vector<32x64xf32>, vector<64x64xf32> -> vector<64x64xf32>
    %add3A_159 = vector.broadcast %get3A_22 : vector<64x1xf32> to vector<64x64xf32>
    %add3A_160 = arith.addf %dot_general3A_158, %add3A_159 : vector<64x64xf32>
    %sub3A_161 = arith.subf %get3A_152, %get3A_155 : vector<32x64xf32>
    %dot_general3A_162 = arith.constant dense<0.000000e+00> : vector<64x64xf32>
    %dot_general3A_163 = tpu.matmul %get3A_10, %sub3A_161, %dot_general3A_162 {dimension_numbers = #tpu.dot_dimension_numbers<[1], [0], [0], [1], [0, 0, 1, 1], [], []>, transpose_lhs_hint = false} : vector<64x32xf32>, vector<32x64xf32>, vector<64x64xf32> -> vector<64x64xf32>
    %broadcast_in_dim3A_164 = arith.constant 0.000000e+00 : f32
    %broadcast_in_dim3A_165 = vector.broadcast %broadcast_in_dim3A_164 : f32 to vector<64x1xf32>
    %broadcast_in_dim3A_166 = arith.constant 0.000000e+00 : f32
    %broadcast_in_dim3A_167 = vector.broadcast %broadcast_in_dim3A_166 : f32 to vector<32x64xf32>
    %scan3A_168 = arith.constant 0 : i32
    %scan3A_169 = arith.constant 64 : i32
    %scan3A_170 = arith.addi %scan3A_168, %scan3A_169 : i32
    %scan3A_171 = arith.constant 1 : i32
    %scan3A_172:4 = scf.for %scan3A_571 = %scan3A_168 to %scan3A_170 step %scan3A_171 iter_args(%scan3A_572 = %broadcast_in_dim3A_165, %scan3A_573 = %broadcast_in_dim3A_167, %scan3A_574 = %broadcast_in_dim3A_74, %scan3A_575 = %broadcast_in_dim3A_74) -> (vector<64x1xf32>, vector<32x64xf32>, vector<64x1xf32>, vector<64x1xf32>)  : i32 {
      %mul3A_576 = arith.constant 32 : i32
      %mul3A_577 = arith.muli %scan3A_571, %mul3A_576 : i32
      %get3A_578 = arith.index_cast %mul3A_577 : i32 to index
      %get3A_579 = arith.constant 0 : index
      %get3A_580 = vector.load %arg28[%get3A_578, %get3A_579] : memref<2048x2048xf32, #tpu.memory_space<vmem>>, vector<32x2048xf32>
      %mul3A_581 = arith.constant 2 : i32
      %mul3A_582 = arith.muli %scan3A_571, %mul3A_581 : i32
      %mul3A_583 = arith.constant 32 : i32
      %mul3A_584 = arith.muli %mul3A_582, %mul3A_583 : i32
      %get3A_585 = arith.index_cast %mul3A_584 : i32 to index
      %get3A_586 = arith.constant 0 : index
      %get3A_587 = vector.load %arg29[%get3A_585, %get3A_586] : memref<4096x2048xbf16, #tpu.memory_space<vmem>>, vector<64x2048xbf16>
      %convert_element_type3A_588 = arith.extf %get3A_587 : vector<64x2048xbf16> to vector<64x2048xf32>
      %eq3A = vector.broadcast %scan3A_571 : i32 to vector<64x1xi32>
      %eq3A_589 = arith.cmpi eq, %iota3A_69, %eq3A : vector<64x1xi32>
      %convert_element_type3A_590 = arith.extui %eq3A_589 : vector<64x1xi1> to vector<64x1xi32>
      %convert_element_type3A_591 = arith.sitofp %convert_element_type3A_590 : vector<64x1xi32> to vector<64x1xf32>
      %get3A_592 = arith.index_cast %scan3A_571 : i32 to index
      %get3A_593 = arith.constant 0 : index
      %get3A_594 = memref.load %arg0[%get3A_592, %get3A_593] : memref<64x6xi32, #tpu.memory_space<smem>>
      %eq3A_595 = vector.broadcast %get3A_594 : i32 to vector<1x2048xi32>
      %eq3A_596 = arith.cmpi eq, %iota3A, %eq3A_595 : vector<1x2048xi32>
      %convert_element_type3A_597 = arith.extui %eq3A_596 : vector<1x2048xi1> to vector<1x2048xi32>
      %convert_element_type3A_598 = arith.sitofp %convert_element_type3A_597 : vector<1x2048xi32> to vector<1x2048xf32>
      %mul3A_599 = vector.broadcast %mul3A_104 : vector<64x1xf32> to vector<64x2048xf32>
      %mul3A_600 = arith.mulf %convert_element_type3A_588, %mul3A_599 : vector<64x2048xf32>
      %add3A_601 = vector.broadcast %sub3A_106 : vector<64x1xf32> to vector<64x2048xf32>
      %add3A_602 = arith.addf %mul3A_600, %add3A_601 : vector<64x2048xf32>
      %slice3A_603 = vector.extract_strided_slice %add3A_602 {offsets = [0, 0], sizes = [32, 2048], strides = [1, 1]} : vector<64x2048xf32> to vector<32x2048xf32>
      %slice3A_604 = vector.extract_strided_slice %add3A_602 {offsets = [32, 0], sizes = [32, 2048], strides = [1, 1]} : vector<64x2048xf32> to vector<32x2048xf32>
      %get3A_605 = arith.index_cast %scan3A_571 : i32 to index
      %get3A_606 = arith.constant 0 : index
      %get3A_607 = memref.load %arg0[%get3A_605, %get3A_606] : memref<64x6xi32, #tpu.memory_space<smem>>
      %get3A_608 = arith.index_cast %get3A_607 : i32 to index
      %get3A_609 = arith.constant 0 : index
      %get3A_610 = vector.load %arg4[%get3A_608, %get3A_609] : memref<2000x2000xf32, #tpu.memory_space<vmem>>, vector<1x2000xf32>
      %concatenate3A_611 = tpu.concatenate %get3A_610, %broadcast_in_dim3A_72 in 1 : vector<1x2000xf32>, vector<1x48xf32> -> vector<1x2048xf32>
      %add3A_612 = arith.constant 0 : i32
      %add3A_613 = arith.addi %add3A_612, %scan3A_571 : i32
      %get3A_614 = arith.index_cast %add3A_613 : i32 to index
      %get3A_615 = arith.constant 0 : index
      %get3A_616 = vector.load %arg3[%get3A_614, %get3A_615] : memref<512x2048xf32, #tpu.memory_space<vmem>>, vector<1x2048xf32>
      %mul3A_617 = vector.broadcast %concatenate3A_611 : vector<1x2048xf32> to vector<32x2048xf32>
      %mul3A_618 = arith.mulf %mul3A_617, %slice3A_603 : vector<32x2048xf32>
      %mul3A_619 = vector.broadcast %get3A_616 : vector<1x2048xf32> to vector<32x2048xf32>
      %mul3A_620 = arith.mulf %mul3A_619, %slice3A_604 : vector<32x2048xf32>
      %add3A_621 = arith.addf %mul3A_618, %mul3A_620 : vector<32x2048xf32>
      %dot_general3A_622 = arith.constant dense<0.000000e+00> : vector<32x1xf32>
      %dot_general3A_623 = tpu.matmul %add3A_149, %convert_element_type3A_591, %dot_general3A_622 {dimension_numbers = #tpu.dot_dimension_numbers<[1], [0], [0], [1], [0, 0, 1, 1], [], []>, transpose_lhs_hint = false} : vector<32x64xf32>, vector<64x1xf32>, vector<32x1xf32> -> vector<32x1xf32>
      %sub3A_624 = vector.broadcast %dot_general3A_623 : vector<32x1xf32> to vector<32x2048xf32>
      %sub3A_625 = arith.subf %sub3A_624, %add3A_621 : vector<32x2048xf32>
      %mul3A_626 = vector.broadcast %convert_element_type3A_598 : vector<1x2048xf32> to vector<32x2048xf32>
      %mul3A_627 = arith.mulf %mul3A_626, %sub3A_625 : vector<32x2048xf32>
      %add3A_628 = arith.addf %add3A_621, %mul3A_627 : vector<32x2048xf32>
      %dot_general3A_629 = arith.constant dense<0.000000e+00> : vector<64x2048xf32>
      %dot_general3A_630 = tpu.matmul %get3A_16, %add3A_628, %dot_general3A_629 {dimension_numbers = #tpu.dot_dimension_numbers<[1], [0], [0], [1], [0, 0, 1, 1], [], []>, transpose_lhs_hint = false} : vector<64x32xf32>, vector<32x2048xf32>, vector<64x2048xf32> -> vector<64x2048xf32>
      %add3A_631 = vector.broadcast %get3A_28 : vector<64x1xf32> to vector<64x2048xf32>
      %add3A_632 = arith.addf %dot_general3A_630, %add3A_631 : vector<64x2048xf32>
      %slice3A_633 = vector.extract_strided_slice %add3A_632 {offsets = [0, 0], sizes = [32, 2048], strides = [1, 1]} : vector<64x2048xf32> to vector<32x2048xf32>
      %logistic3A_634 = arith.negf %slice3A_633 : vector<32x2048xf32>
      %logistic3A_635 = math.exp %logistic3A_634 : vector<32x2048xf32>
      %logistic3A_636 = arith.constant 1.000000e+00 : f32
      %logistic3A_637 = vector.broadcast %logistic3A_636 : f32 to vector<32x2048xf32>
      %logistic3A_638 = arith.addf %logistic3A_637, %logistic3A_635 : vector<32x2048xf32>
      %logistic3A_639 = arith.divf %logistic3A_637, %logistic3A_638 : vector<32x2048xf32>
      %slice3A_640 = vector.extract_strided_slice %add3A_632 {offsets = [32, 0], sizes = [32, 2048], strides = [1, 1]} : vector<64x2048xf32> to vector<32x2048xf32>
      %tanh3A = math.tanh %slice3A_640 : vector<32x2048xf32>
      %mul3A_641 = vector.broadcast %get3A_61 : vector<1x2048xf32> to vector<32x2048xf32>
      %mul3A_642 = arith.mulf %mul3A_641, %logistic3A_639 : vector<32x2048xf32>
      %mul3A_643 = arith.mulf %mul3A_642, %add3A_628 : vector<32x2048xf32>
      %sub3A_644 = arith.subf %add3A_628, %mul3A_643 : vector<32x2048xf32>
      %mul3A_645 = vector.broadcast %get3A_61 : vector<1x2048xf32> to vector<32x2048xf32>
      %mul3A_646 = arith.mulf %mul3A_645, %tanh3A : vector<32x2048xf32>
      %add3A_647 = arith.addf %sub3A_644, %mul3A_646 : vector<32x2048xf32>
      %concatenate3A_648 = tpu.concatenate %add3A_647, %get3A_580 in 0 : vector<32x2048xf32>, vector<32x2048xf32> -> vector<64x2048xf32>
      %dot_general3A_649 = arith.constant dense<0.000000e+00> : vector<128x2048xf32>
      %dot_general3A_650 = tpu.matmul %get3A_19, %concatenate3A_648, %dot_general3A_649 {dimension_numbers = #tpu.dot_dimension_numbers<[1], [0], [0], [1], [0, 0, 1, 1], [], []>, transpose_lhs_hint = false} : vector<128x64xf32>, vector<64x2048xf32>, vector<128x2048xf32> -> vector<128x2048xf32>
      %add3A_651 = vector.broadcast %get3A_31 : vector<128x1xf32> to vector<128x2048xf32>
      %add3A_652 = arith.addf %dot_general3A_650, %add3A_651 : vector<128x2048xf32>
      %slice3A_653 = vector.extract_strided_slice %add3A_652 {offsets = [0, 0], sizes = [32, 2048], strides = [1, 1]} : vector<128x2048xf32> to vector<32x2048xf32>
      %logistic3A_654 = arith.negf %slice3A_653 : vector<32x2048xf32>
      %logistic3A_655 = math.exp %logistic3A_654 : vector<32x2048xf32>
      %logistic3A_656 = arith.constant 1.000000e+00 : f32
      %logistic3A_657 = vector.broadcast %logistic3A_656 : f32 to vector<32x2048xf32>
      %logistic3A_658 = arith.addf %logistic3A_657, %logistic3A_655 : vector<32x2048xf32>
      %logistic3A_659 = arith.divf %logistic3A_657, %logistic3A_658 : vector<32x2048xf32>
      %slice3A_660 = vector.extract_strided_slice %add3A_652 {offsets = [32, 0], sizes = [32, 2048], strides = [1, 1]} : vector<128x2048xf32> to vector<32x2048xf32>
      %logistic3A_661 = arith.negf %slice3A_660 : vector<32x2048xf32>
      %logistic3A_662 = math.exp %logistic3A_661 : vector<32x2048xf32>
      %logistic3A_663 = arith.constant 1.000000e+00 : f32
      %logistic3A_664 = vector.broadcast %logistic3A_663 : f32 to vector<32x2048xf32>
      %logistic3A_665 = arith.addf %logistic3A_664, %logistic3A_662 : vector<32x2048xf32>
      %logistic3A_666 = arith.divf %logistic3A_664, %logistic3A_665 : vector<32x2048xf32>
      %slice3A_667 = vector.extract_strided_slice %add3A_652 {offsets = [64, 0], sizes = [32, 2048], strides = [1, 1]} : vector<128x2048xf32> to vector<32x2048xf32>
      %slice3A_668 = vector.extract_strided_slice %add3A_652 {offsets = [96, 0], sizes = [32, 2048], strides = [1, 1]} : vector<128x2048xf32> to vector<32x2048xf32>
      %mul3A_669 = arith.mulf %logistic3A_659, %slice3A_668 : vector<32x2048xf32>
      %add3A_670 = arith.addf %slice3A_667, %mul3A_669 : vector<32x2048xf32>
      %tanh3A_671 = math.tanh %add3A_670 : vector<32x2048xf32>
      %sub3A_672 = arith.constant 1.000000e+00 : f32
      %sub3A_673 = vector.broadcast %sub3A_672 : f32 to vector<32x2048xf32>
      %sub3A_674 = arith.subf %sub3A_673, %logistic3A_666 : vector<32x2048xf32>
      %mul3A_675 = arith.mulf %sub3A_674, %tanh3A_671 : vector<32x2048xf32>
      %mul3A_676 = arith.mulf %logistic3A_666, %get3A_580 : vector<32x2048xf32>
      %add3A_677 = arith.addf %mul3A_675, %mul3A_676 : vector<32x2048xf32>
      %mul3A_678 = arith.constant 32 : i32
      %mul3A_679 = arith.muli %scan3A_571, %mul3A_678 : i32
      %swap3A_680 = arith.index_cast %mul3A_679 : i32 to index
      %swap3A_681 = arith.constant 0 : index
      %swap3A_682 = vector.load %arg28[%swap3A_680, %swap3A_681] : memref<2048x2048xf32, #tpu.memory_space<vmem>>, vector<32x2048xf32>
      tpu.vector_store %arg28[%swap3A_680, %swap3A_681], %add3A_677 {strides = array<i32>} : memref<2048x2048xf32, #tpu.memory_space<vmem>>, vector<32x2048xf32>,
      %get3A_683 = arith.index_cast %scan3A_571 : i32 to index
      %get3A_684 = arith.constant 1 : index
      %get3A_685 = memref.load %arg0[%get3A_683, %get3A_684] : memref<64x6xi32, #tpu.memory_space<smem>>
      %eq3A_686 = vector.broadcast %get3A_685 : i32 to vector<1x2048xi32>
      %eq3A_687 = arith.cmpi eq, %iota3A, %eq3A_686 : vector<1x2048xi32>
      %convert_element_type3A_688 = arith.extui %eq3A_687 : vector<1x2048xi1> to vector<1x2048xi32>
      %convert_element_type3A_689 = arith.sitofp %convert_element_type3A_688 : vector<1x2048xi32> to vector<1x2048xf32>
      %mul3A_690 = vector.broadcast %convert_element_type3A_689 : vector<1x2048xf32> to vector<32x2048xf32>
      %mul3A_691 = arith.mulf %add3A_677, %mul3A_690 : vector<32x2048xf32>
      %reduce_sum3A_692 = arith.constant dense<0.000000e+00> : vector<32xf32>
      %reduce_sum3A_693 = vector.multi_reduction <add>, %mul3A_691, %reduce_sum3A_692 [1] : vector<32x2048xf32> to vector<32xf32>
      %broadcast_in_dim3A_694 = vector.shape_cast %reduce_sum3A_693 : vector<32xf32> to vector<32x1xf32>
      %eq3A_695 = vector.broadcast %scan3A_571 : i32 to vector<1x64xi32>
      %eq3A_696 = arith.cmpi eq, %iota3A_70, %eq3A_695 : vector<1x64xi32>
      %convert_element_type3A_697 = arith.extui %eq3A_696 : vector<1x64xi1> to vector<1x64xi32>
      %convert_element_type3A_698 = arith.sitofp %convert_element_type3A_697 : vector<1x64xi32> to vector<1x64xf32>
      %mul3A_699 = vector.broadcast %broadcast_in_dim3A_694 : vector<32x1xf32> to vector<32x64xf32>
      %mul3A_700 = vector.broadcast %convert_element_type3A_698 : vector<1x64xf32> to vector<32x64xf32>
      %mul3A_701 = arith.mulf %mul3A_699, %mul3A_700 : vector<32x64xf32>
      %add3A_702 = arith.addf %scan3A_573, %mul3A_701 : vector<32x64xf32>
      %mul3A_703 = arith.mulf %broadcast_in_dim3A_694, %get3A_58 : vector<32x1xf32>
      %reduce_sum3A_704 = arith.constant dense<0.000000e+00> : vector<1xf32>
      %reduce_sum3A_705 = vector.multi_reduction <add>, %mul3A_703, %reduce_sum3A_704 [0] : vector<32x1xf32> to vector<1xf32>
      %broadcast_in_dim3A_706 = vector.shape_cast %reduce_sum3A_705 : vector<1xf32> to vector<1x1xf32>
      %mul3A_707 = vector.broadcast %broadcast_in_dim3A_706 : vector<1x1xf32> to vector<64x1xf32>
      %mul3A_708 = arith.mulf %mul3A_707, %convert_element_type3A_591 : vector<64x1xf32>
      %add3A_709 = arith.addf %scan3A_572, %mul3A_708 : vector<64x1xf32>
      %dot_general3A_710 = arith.constant dense<0.000000e+00> : vector<64x1xf32>
      %dot_general3A_711 = tpu.matmul %slice3A, %broadcast_in_dim3A_694, %dot_general3A_710 {dimension_numbers = #tpu.dot_dimension_numbers<[1], [0], [0], [1], [0, 0, 1, 1], [], []>, transpose_lhs_hint = false} : vector<64x32xf32>, vector<32x1xf32>, vector<64x1xf32> -> vector<64x1xf32>
      %dot_general3A_712 = arith.constant dense<0.000000e+00> : vector<64x1xf32>
      %dot_general3A_713 = tpu.matmul %add3A_160, %convert_element_type3A_591, %dot_general3A_712 {dimension_numbers = #tpu.dot_dimension_numbers<[1], [0], [0], [1], [0, 0, 1, 1], [], []>, transpose_lhs_hint = false} : vector<64x64xf32>, vector<64x1xf32>, vector<64x1xf32> -> vector<64x1xf32>
      %add3A_714 = arith.addf %dot_general3A_711, %dot_general3A_713 : vector<64x1xf32>
      %dot_general3A_715 = arith.constant dense<0.000000e+00> : vector<64x1xf32>
      %dot_general3A_716 = tpu.matmul %dot_general3A_163, %convert_element_type3A_591, %dot_general3A_715 {dimension_numbers = #tpu.dot_dimension_numbers<[1], [0], [0], [1], [0, 0, 1, 1], [], []>, transpose_lhs_hint = false} : vector<64x64xf32>, vector<64x1xf32>, vector<64x1xf32> -> vector<64x1xf32>
      %dot_general3A_717 = arith.constant dense<0.000000e+00> : vector<64x2048xf32>
      %dot_general3A_718 = tpu.matmul %get3A_7, %add3A_677, %dot_general3A_717 {dimension_numbers = #tpu.dot_dimension_numbers<[1], [0], [0], [1], [0, 0, 1, 1], [], []>, transpose_lhs_hint = false} : vector<64x32xf32>, vector<32x2048xf32>, vector<64x2048xf32> -> vector<64x2048xf32>
      %add3A_719 = vector.broadcast %add3A_714 : vector<64x1xf32> to vector<64x2048xf32>
      %add3A_720 = arith.addf %dot_general3A_718, %add3A_719 : vector<64x2048xf32>
      %add3A_721 = arith.addf %add3A_720, %dot_general3A_65 : vector<64x2048xf32>
      %mul3A_722 = vector.broadcast %dot_general3A_716 : vector<64x1xf32> to vector<64x2048xf32>
      %mul3A_723 = vector.broadcast %convert_element_type3A_689 : vector<1x2048xf32> to vector<64x2048xf32>
      %mul3A_724 = arith.mulf %mul3A_722, %mul3A_723 : vector<64x2048xf32>
      %add3A_725 = arith.addf %add3A_721, %mul3A_724 : vector<64x2048xf32>
      %max3A_726 = arith.constant 0.000000e+00 : f32
      %max3A_727 = vector.broadcast %max3A_726 : f32 to vector<64x2048xf32>
      %max3A_728 = arith.maximumf %add3A_725, %max3A_727 : vector<64x2048xf32>
      %dot_general3A_729 = arith.constant dense<0.000000e+00> : vector<64x2048xf32>
      %dot_general3A_730 = tpu.matmul %get3A_13, %max3A_728, %dot_general3A_729 {dimension_numbers = #tpu.dot_dimension_numbers<[1], [0], [0], [1], [0, 0, 1, 1], [], []>, transpose_lhs_hint = false} : vector<64x64xf32>, vector<64x2048xf32>, vector<64x2048xf32> -> vector<64x2048xf32>
      %add3A_731 = vector.broadcast %get3A_25 : vector<64x1xf32> to vector<64x2048xf32>
      %add3A_732 = arith.addf %dot_general3A_730, %add3A_731 : vector<64x2048xf32>
      %max3A_733 = arith.constant 0.000000e+00 : f32
      %max3A_734 = vector.broadcast %max3A_733 : f32 to vector<64x2048xf32>
      %max3A_735 = arith.maximumf %add3A_732, %max3A_734 : vector<64x2048xf32>
      %mul3A_736 = vector.broadcast %convert_element_type3A_68 : vector<1x2048xf32> to vector<64x2048xf32>
      %mul3A_737 = arith.mulf %max3A_735, %mul3A_736 : vector<64x2048xf32>
      %convert_element_type3A_738 = arith.truncf %mul3A_737 : vector<64x2048xf32> to vector<64x2048xbf16>
      %mul3A_739 = arith.constant 2 : i32
      %mul3A_740 = arith.muli %scan3A_571, %mul3A_739 : i32
      %mul3A_741 = arith.constant 32 : i32
      %mul3A_742 = arith.muli %mul3A_740, %mul3A_741 : i32
      %swap3A_743 = arith.index_cast %mul3A_742 : i32 to index
      %swap3A_744 = arith.constant 0 : index
      %swap3A_745 = vector.load %arg29[%swap3A_743, %swap3A_744] : memref<4096x2048xbf16, #tpu.memory_space<vmem>>, vector<64x2048xbf16>
      tpu.vector_store %arg29[%swap3A_743, %swap3A_744], %convert_element_type3A_738 {strides = array<i32>} : memref<4096x2048xbf16, #tpu.memory_space<vmem>>, vector<64x2048xbf16>,
      %reduce_sum3A_746 = arith.constant dense<0.000000e+00> : vector<64xf32>
      %reduce_sum3A_747 = vector.multi_reduction <add>, %mul3A_737, %reduce_sum3A_746 [1] : vector<64x2048xf32> to vector<64xf32>
      %broadcast_in_dim3A_748 = vector.shape_cast %reduce_sum3A_747 : vector<64xf32> to vector<64x1xf32>
      %add3A_749 = arith.addf %scan3A_574, %broadcast_in_dim3A_748 : vector<64x1xf32>
      %mul3A_750 = arith.mulf %mul3A_737, %mul3A_737 : vector<64x2048xf32>
      %reduce_sum3A_751 = arith.constant dense<0.000000e+00> : vector<64xf32>
      %reduce_sum3A_752 = vector.multi_reduction <add>, %mul3A_750, %reduce_sum3A_751 [1] : vector<64x2048xf32> to vector<64xf32>
      %broadcast_in_dim3A_753 = vector.shape_cast %reduce_sum3A_752 : vector<64xf32> to vector<64x1xf32>
      %add3A_754 = arith.addf %scan3A_575, %broadcast_in_dim3A_753 : vector<64x1xf32>
      scf.yield %add3A_709, %add3A_702, %add3A_749, %add3A_754 : vector<64x1xf32>, vector<32x64xf32>, vector<64x1xf32>, vector<64x1xf32>
    }
    %scan3A_173 = arith.constant 64 : i32
    %get3A_174 = arith.constant 0 : index
    %get3A_175 = arith.constant 0 : index
    %get3A_176 = vector.load %arg26[%get3A_174, %get3A_175] : memref<1x1xf32, #tpu.memory_space<vmem>>, vector<1x1xf32>
    %add3A_177 = vector.broadcast %get3A_176 : vector<1x1xf32> to vector<64x1xf32>
    %add3A_178 = arith.addf %scan3A_172#0, %add3A_177 : vector<64x1xf32>
    %logistic3A = arith.negf %add3A_178 : vector<64x1xf32>
    %logistic3A_179 = math.exp %logistic3A : vector<64x1xf32>
    %logistic3A_180 = arith.constant 1.000000e+00 : f32
    %logistic3A_181 = vector.broadcast %logistic3A_180 : f32 to vector<64x1xf32>
    %logistic3A_182 = arith.addf %logistic3A_181, %logistic3A_179 : vector<64x1xf32>
    %logistic3A_183 = arith.divf %logistic3A_181, %logistic3A_182 : vector<64x1xf32>
    %swap3A_184 = arith.constant 0 : index
    %swap3A_185 = arith.constant 0 : index
    %swap3A_186 = vector.load %arg27[%swap3A_184, %swap3A_185] : memref<64x5xf32, #tpu.memory_space<vmem>>, vector<64x1xf32>
    tpu.vector_store %arg27[%swap3A_184, %swap3A_185], %logistic3A_183 {strides = array<i32>} : memref<64x5xf32, #tpu.memory_space<vmem>>, vector<64x1xf32>,
    %mul3A_187 = arith.constant 7.812500e-06 : f32
    %mul3A_188 = vector.broadcast %mul3A_187 : f32 to vector<64x1xf32>
    %mul3A_189 = arith.mulf %scan3A_172#2, %mul3A_188 : vector<64x1xf32>
    %mul3A_190 = arith.constant 7.812500e-06 : f32
    %mul3A_191 = vector.broadcast %mul3A_190 : f32 to vector<64x1xf32>
    %mul3A_192 = arith.mulf %scan3A_172#3, %mul3A_191 : vector<64x1xf32>
    %mul3A_193 = arith.mulf %mul3A_189, %mul3A_189 : vector<64x1xf32>
    %sub3A_194 = arith.subf %mul3A_192, %mul3A_193 : vector<64x1xf32>
    %add3A_195 = arith.constant 9.99999974E-6 : f32
    %add3A_196 = vector.broadcast %add3A_195 : f32 to vector<64x1xf32>
    %add3A_197 = arith.addf %sub3A_194, %add3A_196 : vector<64x1xf32>
    %rsqrt3A_198 = math.rsqrt %add3A_197 : vector<64x1xf32>
    %mul3A_199 = arith.mulf %get3A_34, %rsqrt3A_198 : vector<64x1xf32>
    %mul3A_200 = arith.mulf %mul3A_189, %mul3A_199 : vector<64x1xf32>
    %sub3A_201 = arith.subf %get3A_37, %mul3A_200 : vector<64x1xf32>
    %get3A_202 = arith.constant 0 : index
    %get3A_203 = arith.constant 64 : index
    %get3A_204 = vector.load %arg1[%get3A_202, %get3A_203] : memref<32x320xf32, #tpu.memory_space<vmem>>, vector<32x64xf32>
    %concatenate3A_205 = tpu.concatenate %scan3A_172#1, %get3A_204 in 0 : vector<32x64xf32>, vector<32x64xf32> -> vector<64x64xf32>
    %dot_general3A_206 = arith.constant dense<0.000000e+00> : vector<32x64xf32>
    %dot_general3A_207 = tpu.matmul %get3A_40, %concatenate3A_205, %dot_general3A_206 {dimension_numbers = #tpu.dot_dimension_numbers<[1], [0], [0], [1], [0, 0, 1, 1], [], []>, transpose_lhs_hint = false} : vector<32x64xf32>, vector<64x64xf32>, vector<32x64xf32> -> vector<32x64xf32>
    %add3A_208 = vector.broadcast %get3A_46 : vector<32x1xf32> to vector<32x64xf32>
    %add3A_209 = arith.addf %dot_general3A_207, %add3A_208 : vector<32x64xf32>
    %max3A_210 = arith.constant 0.000000e+00 : f32
    %max3A_211 = vector.broadcast %max3A_210 : f32 to vector<32x64xf32>
    %max3A_212 = arith.maximumf %add3A_209, %max3A_211 : vector<32x64xf32>
    %dot_general3A_213 = arith.constant dense<0.000000e+00> : vector<32x64xf32>
    %dot_general3A_214 = tpu.matmul %get3A_43, %max3A_212, %dot_general3A_213 {dimension_numbers = #tpu.dot_dimension_numbers<[1], [0], [0], [1], [0, 0, 1, 1], [], []>, transpose_lhs_hint = false} : vector<32x32xf32>, vector<32x64xf32>, vector<32x64xf32> -> vector<32x64xf32>
    %add3A_215 = vector.broadcast %get3A_49 : vector<32x1xf32> to vector<32x64xf32>
    %add3A_216 = arith.addf %dot_general3A_214, %add3A_215 : vector<32x64xf32>
    %max3A_217 = arith.constant 0.000000e+00 : f32
    %max3A_218 = vector.broadcast %max3A_217 : f32 to vector<32x64xf32>
    %max3A_219 = arith.maximumf %add3A_216, %max3A_218 : vector<32x64xf32>
    %reduce_sum3A_220 = arith.constant dense<0.000000e+00> : vector<32xf32>
    %reduce_sum3A_221 = vector.multi_reduction <add>, %max3A_219, %reduce_sum3A_220 [1] : vector<32x64xf32> to vector<32xf32>
    %broadcast_in_dim3A_222 = vector.shape_cast %reduce_sum3A_221 : vector<32xf32> to vector<32x1xf32>
    %div3A_223 = arith.constant 6.400000e+01 : f32
    %div3A_224 = vector.broadcast %div3A_223 : f32 to vector<32x1xf32>
    %div3A_225 = arith.divf %broadcast_in_dim3A_222, %div3A_224 : vector<32x1xf32>
    %sub3A_226 = vector.broadcast %div3A_225 : vector<32x1xf32> to vector<32x64xf32>
    %sub3A_227 = arith.subf %max3A_219, %sub3A_226 : vector<32x64xf32>
    %sub3A_228 = vector.broadcast %div3A_225 : vector<32x1xf32> to vector<32x64xf32>
    %sub3A_229 = arith.subf %max3A_219, %sub3A_228 : vector<32x64xf32>
    %mul3A_230 = arith.mulf %sub3A_227, %sub3A_229 : vector<32x64xf32>
    %reduce_sum3A_231 = arith.constant dense<0.000000e+00> : vector<32xf32>
    %reduce_sum3A_232 = vector.multi_reduction <add>, %mul3A_230, %reduce_sum3A_231 [1] : vector<32x64xf32> to vector<32xf32>
    %broadcast_in_dim3A_233 = vector.shape_cast %reduce_sum3A_232 : vector<32xf32> to vector<32x1xf32>
    %div3A_234 = arith.constant 6.400000e+01 : f32
    %div3A_235 = vector.broadcast %div3A_234 : f32 to vector<32x1xf32>
    %div3A_236 = arith.divf %broadcast_in_dim3A_233, %div3A_235 : vector<32x1xf32>
    %sub3A_237 = vector.broadcast %div3A_225 : vector<32x1xf32> to vector<32x64xf32>
    %sub3A_238 = arith.subf %max3A_219, %sub3A_237 : vector<32x64xf32>
    %add3A_239 = arith.constant 9.99999974E-6 : f32
    %add3A_240 = vector.broadcast %add3A_239 : f32 to vector<32x1xf32>
    %add3A_241 = arith.addf %div3A_236, %add3A_240 : vector<32x1xf32>
    %rsqrt3A_242 = math.rsqrt %add3A_241 : vector<32x1xf32>
    %mul3A_243 = vector.broadcast %rsqrt3A_242 : vector<32x1xf32> to vector<32x64xf32>
    %mul3A_244 = arith.mulf %sub3A_238, %mul3A_243 : vector<32x64xf32>
    %mul3A_245 = vector.broadcast %get3A_52 : vector<32x1xf32> to vector<32x64xf32>
    %mul3A_246 = arith.mulf %mul3A_244, %mul3A_245 : vector<32x64xf32>
    %add3A_247 = vector.broadcast %get3A_55 : vector<32x1xf32> to vector<32x64xf32>
    %add3A_248 = arith.addf %mul3A_246, %add3A_247 : vector<32x64xf32>
    %get3A_249 = arith.constant 0 : index
    %get3A_250 = arith.constant 128 : index
    %get3A_251 = vector.load %arg1[%get3A_249, %get3A_250] : memref<32x320xf32, #tpu.memory_space<vmem>>, vector<32x64xf32>
    %get3A_252 = arith.constant 0 : index
    %get3A_253 = arith.constant 128 : index
    %get3A_254 = vector.load %arg2[%get3A_252, %get3A_253] : memref<32x320xf32, #tpu.memory_space<vmem>>, vector<32x64xf32>
    %slice3A_255 = vector.extract_strided_slice %get3A_4 {offsets = [0, 32], sizes = [64, 32], strides = [1, 1]} : vector<64x64xf32> to vector<64x32xf32>
    %dot_general3A_256 = arith.constant dense<0.000000e+00> : vector<64x64xf32>
    %dot_general3A_257 = tpu.matmul %slice3A_255, %get3A_251, %dot_general3A_256 {dimension_numbers = #tpu.dot_dimension_numbers<[1], [0], [0], [1], [0, 0, 1, 1], [], []>, transpose_lhs_hint = false} : vector<64x32xf32>, vector<32x64xf32>, vector<64x64xf32> -> vector<64x64xf32>
    %add3A_258 = vector.broadcast %get3A_22 : vector<64x1xf32> to vector<64x64xf32>
    %add3A_259 = arith.addf %dot_general3A_257, %add3A_258 : vector<64x64xf32>
    %sub3A_260 = arith.subf %get3A_251, %get3A_254 : vector<32x64xf32>
    %dot_general3A_261 = arith.constant dense<0.000000e+00> : vector<64x64xf32>
    %dot_general3A_262 = tpu.matmul %get3A_10, %sub3A_260, %dot_general3A_261 {dimension_numbers = #tpu.dot_dimension_numbers<[1], [0], [0], [1], [0, 0, 1, 1], [], []>, transpose_lhs_hint = false} : vector<64x32xf32>, vector<32x64xf32>, vector<64x64xf32> -> vector<64x64xf32>
    %broadcast_in_dim3A_263 = arith.constant 0.000000e+00 : f32
    %broadcast_in_dim3A_264 = vector.broadcast %broadcast_in_dim3A_263 : f32 to vector<64x1xf32>
    %broadcast_in_dim3A_265 = arith.constant 0.000000e+00 : f32
    %broadcast_in_dim3A_266 = vector.broadcast %broadcast_in_dim3A_265 : f32 to vector<32x64xf32>
    %scan3A_267 = arith.constant 0 : i32
    %scan3A_268 = arith.constant 64 : i32
    %scan3A_269 = arith.addi %scan3A_267, %scan3A_268 : i32
    %scan3A_270 = arith.constant 1 : i32
    %scan3A_271:4 = scf.for %scan3A_571 = %scan3A_267 to %scan3A_269 step %scan3A_270 iter_args(%scan3A_572 = %broadcast_in_dim3A_264, %scan3A_573 = %broadcast_in_dim3A_266, %scan3A_574 = %broadcast_in_dim3A_74, %scan3A_575 = %broadcast_in_dim3A_74) -> (vector<64x1xf32>, vector<32x64xf32>, vector<64x1xf32>, vector<64x1xf32>)  : i32 {
      %mul3A_576 = arith.constant 32 : i32
      %mul3A_577 = arith.muli %scan3A_571, %mul3A_576 : i32
      %get3A_578 = arith.index_cast %mul3A_577 : i32 to index
      %get3A_579 = arith.constant 0 : index
      %get3A_580 = vector.load %arg28[%get3A_578, %get3A_579] : memref<2048x2048xf32, #tpu.memory_space<vmem>>, vector<32x2048xf32>
      %mul3A_581 = arith.constant 2 : i32
      %mul3A_582 = arith.muli %scan3A_571, %mul3A_581 : i32
      %mul3A_583 = arith.constant 32 : i32
      %mul3A_584 = arith.muli %mul3A_582, %mul3A_583 : i32
      %get3A_585 = arith.index_cast %mul3A_584 : i32 to index
      %get3A_586 = arith.constant 0 : index
      %get3A_587 = vector.load %arg29[%get3A_585, %get3A_586] : memref<4096x2048xbf16, #tpu.memory_space<vmem>>, vector<64x2048xbf16>
      %convert_element_type3A_588 = arith.extf %get3A_587 : vector<64x2048xbf16> to vector<64x2048xf32>
      %eq3A = vector.broadcast %scan3A_571 : i32 to vector<64x1xi32>
      %eq3A_589 = arith.cmpi eq, %iota3A_69, %eq3A : vector<64x1xi32>
      %convert_element_type3A_590 = arith.extui %eq3A_589 : vector<64x1xi1> to vector<64x1xi32>
      %convert_element_type3A_591 = arith.sitofp %convert_element_type3A_590 : vector<64x1xi32> to vector<64x1xf32>
      %get3A_592 = arith.index_cast %scan3A_571 : i32 to index
      %get3A_593 = arith.constant 1 : index
      %get3A_594 = memref.load %arg0[%get3A_592, %get3A_593] : memref<64x6xi32, #tpu.memory_space<smem>>
      %eq3A_595 = vector.broadcast %get3A_594 : i32 to vector<1x2048xi32>
      %eq3A_596 = arith.cmpi eq, %iota3A, %eq3A_595 : vector<1x2048xi32>
      %convert_element_type3A_597 = arith.extui %eq3A_596 : vector<1x2048xi1> to vector<1x2048xi32>
      %convert_element_type3A_598 = arith.sitofp %convert_element_type3A_597 : vector<1x2048xi32> to vector<1x2048xf32>
      %mul3A_599 = vector.broadcast %mul3A_199 : vector<64x1xf32> to vector<64x2048xf32>
      %mul3A_600 = arith.mulf %convert_element_type3A_588, %mul3A_599 : vector<64x2048xf32>
      %add3A_601 = vector.broadcast %sub3A_201 : vector<64x1xf32> to vector<64x2048xf32>
      %add3A_602 = arith.addf %mul3A_600, %add3A_601 : vector<64x2048xf32>
      %slice3A_603 = vector.extract_strided_slice %add3A_602 {offsets = [0, 0], sizes = [32, 2048], strides = [1, 1]} : vector<64x2048xf32> to vector<32x2048xf32>
      %slice3A_604 = vector.extract_strided_slice %add3A_602 {offsets = [32, 0], sizes = [32, 2048], strides = [1, 1]} : vector<64x2048xf32> to vector<32x2048xf32>
      %get3A_605 = arith.index_cast %scan3A_571 : i32 to index
      %get3A_606 = arith.constant 1 : index
      %get3A_607 = memref.load %arg0[%get3A_605, %get3A_606] : memref<64x6xi32, #tpu.memory_space<smem>>
      %get3A_608 = arith.index_cast %get3A_607 : i32 to index
      %get3A_609 = arith.constant 0 : index
      %get3A_610 = vector.load %arg4[%get3A_608, %get3A_609] : memref<2000x2000xf32, #tpu.memory_space<vmem>>, vector<1x2000xf32>
      %concatenate3A_611 = tpu.concatenate %get3A_610, %broadcast_in_dim3A_72 in 1 : vector<1x2000xf32>, vector<1x48xf32> -> vector<1x2048xf32>
      %add3A_612 = arith.constant 64 : i32
      %add3A_613 = arith.addi %add3A_612, %scan3A_571 : i32
      %get3A_614 = arith.index_cast %add3A_613 : i32 to index
      %get3A_615 = arith.constant 0 : index
      %get3A_616 = vector.load %arg3[%get3A_614, %get3A_615] : memref<512x2048xf32, #tpu.memory_space<vmem>>, vector<1x2048xf32>
      %mul3A_617 = vector.broadcast %concatenate3A_611 : vector<1x2048xf32> to vector<32x2048xf32>
      %mul3A_618 = arith.mulf %mul3A_617, %slice3A_603 : vector<32x2048xf32>
      %mul3A_619 = vector.broadcast %get3A_616 : vector<1x2048xf32> to vector<32x2048xf32>
      %mul3A_620 = arith.mulf %mul3A_619, %slice3A_604 : vector<32x2048xf32>
      %add3A_621 = arith.addf %mul3A_618, %mul3A_620 : vector<32x2048xf32>
      %dot_general3A_622 = arith.constant dense<0.000000e+00> : vector<32x1xf32>
      %dot_general3A_623 = tpu.matmul %add3A_248, %convert_element_type3A_591, %dot_general3A_622 {dimension_numbers = #tpu.dot_dimension_numbers<[1], [0], [0], [1], [0, 0, 1, 1], [], []>, transpose_lhs_hint = false} : vector<32x64xf32>, vector<64x1xf32>, vector<32x1xf32> -> vector<32x1xf32>
      %sub3A_624 = vector.broadcast %dot_general3A_623 : vector<32x1xf32> to vector<32x2048xf32>
      %sub3A_625 = arith.subf %sub3A_624, %add3A_621 : vector<32x2048xf32>
      %mul3A_626 = vector.broadcast %convert_element_type3A_598 : vector<1x2048xf32> to vector<32x2048xf32>
      %mul3A_627 = arith.mulf %mul3A_626, %sub3A_625 : vector<32x2048xf32>
      %add3A_628 = arith.addf %add3A_621, %mul3A_627 : vector<32x2048xf32>
      %dot_general3A_629 = arith.constant dense<0.000000e+00> : vector<64x2048xf32>
      %dot_general3A_630 = tpu.matmul %get3A_16, %add3A_628, %dot_general3A_629 {dimension_numbers = #tpu.dot_dimension_numbers<[1], [0], [0], [1], [0, 0, 1, 1], [], []>, transpose_lhs_hint = false} : vector<64x32xf32>, vector<32x2048xf32>, vector<64x2048xf32> -> vector<64x2048xf32>
      %add3A_631 = vector.broadcast %get3A_28 : vector<64x1xf32> to vector<64x2048xf32>
      %add3A_632 = arith.addf %dot_general3A_630, %add3A_631 : vector<64x2048xf32>
      %slice3A_633 = vector.extract_strided_slice %add3A_632 {offsets = [0, 0], sizes = [32, 2048], strides = [1, 1]} : vector<64x2048xf32> to vector<32x2048xf32>
      %logistic3A_634 = arith.negf %slice3A_633 : vector<32x2048xf32>
      %logistic3A_635 = math.exp %logistic3A_634 : vector<32x2048xf32>
      %logistic3A_636 = arith.constant 1.000000e+00 : f32
      %logistic3A_637 = vector.broadcast %logistic3A_636 : f32 to vector<32x2048xf32>
      %logistic3A_638 = arith.addf %logistic3A_637, %logistic3A_635 : vector<32x2048xf32>
      %logistic3A_639 = arith.divf %logistic3A_637, %logistic3A_638 : vector<32x2048xf32>
      %slice3A_640 = vector.extract_strided_slice %add3A_632 {offsets = [32, 0], sizes = [32, 2048], strides = [1, 1]} : vector<64x2048xf32> to vector<32x2048xf32>
      %tanh3A = math.tanh %slice3A_640 : vector<32x2048xf32>
      %mul3A_641 = vector.broadcast %get3A_61 : vector<1x2048xf32> to vector<32x2048xf32>
      %mul3A_642 = arith.mulf %mul3A_641, %logistic3A_639 : vector<32x2048xf32>
      %mul3A_643 = arith.mulf %mul3A_642, %add3A_628 : vector<32x2048xf32>
      %sub3A_644 = arith.subf %add3A_628, %mul3A_643 : vector<32x2048xf32>
      %mul3A_645 = vector.broadcast %get3A_61 : vector<1x2048xf32> to vector<32x2048xf32>
      %mul3A_646 = arith.mulf %mul3A_645, %tanh3A : vector<32x2048xf32>
      %add3A_647 = arith.addf %sub3A_644, %mul3A_646 : vector<32x2048xf32>
      %concatenate3A_648 = tpu.concatenate %add3A_647, %get3A_580 in 0 : vector<32x2048xf32>, vector<32x2048xf32> -> vector<64x2048xf32>
      %dot_general3A_649 = arith.constant dense<0.000000e+00> : vector<128x2048xf32>
      %dot_general3A_650 = tpu.matmul %get3A_19, %concatenate3A_648, %dot_general3A_649 {dimension_numbers = #tpu.dot_dimension_numbers<[1], [0], [0], [1], [0, 0, 1, 1], [], []>, transpose_lhs_hint = false} : vector<128x64xf32>, vector<64x2048xf32>, vector<128x2048xf32> -> vector<128x2048xf32>
      %add3A_651 = vector.broadcast %get3A_31 : vector<128x1xf32> to vector<128x2048xf32>
      %add3A_652 = arith.addf %dot_general3A_650, %add3A_651 : vector<128x2048xf32>
      %slice3A_653 = vector.extract_strided_slice %add3A_652 {offsets = [0, 0], sizes = [32, 2048], strides = [1, 1]} : vector<128x2048xf32> to vector<32x2048xf32>
      %logistic3A_654 = arith.negf %slice3A_653 : vector<32x2048xf32>
      %logistic3A_655 = math.exp %logistic3A_654 : vector<32x2048xf32>
      %logistic3A_656 = arith.constant 1.000000e+00 : f32
      %logistic3A_657 = vector.broadcast %logistic3A_656 : f32 to vector<32x2048xf32>
      %logistic3A_658 = arith.addf %logistic3A_657, %logistic3A_655 : vector<32x2048xf32>
      %logistic3A_659 = arith.divf %logistic3A_657, %logistic3A_658 : vector<32x2048xf32>
      %slice3A_660 = vector.extract_strided_slice %add3A_652 {offsets = [32, 0], sizes = [32, 2048], strides = [1, 1]} : vector<128x2048xf32> to vector<32x2048xf32>
      %logistic3A_661 = arith.negf %slice3A_660 : vector<32x2048xf32>
      %logistic3A_662 = math.exp %logistic3A_661 : vector<32x2048xf32>
      %logistic3A_663 = arith.constant 1.000000e+00 : f32
      %logistic3A_664 = vector.broadcast %logistic3A_663 : f32 to vector<32x2048xf32>
      %logistic3A_665 = arith.addf %logistic3A_664, %logistic3A_662 : vector<32x2048xf32>
      %logistic3A_666 = arith.divf %logistic3A_664, %logistic3A_665 : vector<32x2048xf32>
      %slice3A_667 = vector.extract_strided_slice %add3A_652 {offsets = [64, 0], sizes = [32, 2048], strides = [1, 1]} : vector<128x2048xf32> to vector<32x2048xf32>
      %slice3A_668 = vector.extract_strided_slice %add3A_652 {offsets = [96, 0], sizes = [32, 2048], strides = [1, 1]} : vector<128x2048xf32> to vector<32x2048xf32>
      %mul3A_669 = arith.mulf %logistic3A_659, %slice3A_668 : vector<32x2048xf32>
      %add3A_670 = arith.addf %slice3A_667, %mul3A_669 : vector<32x2048xf32>
      %tanh3A_671 = math.tanh %add3A_670 : vector<32x2048xf32>
      %sub3A_672 = arith.constant 1.000000e+00 : f32
      %sub3A_673 = vector.broadcast %sub3A_672 : f32 to vector<32x2048xf32>
      %sub3A_674 = arith.subf %sub3A_673, %logistic3A_666 : vector<32x2048xf32>
      %mul3A_675 = arith.mulf %sub3A_674, %tanh3A_671 : vector<32x2048xf32>
      %mul3A_676 = arith.mulf %logistic3A_666, %get3A_580 : vector<32x2048xf32>
      %add3A_677 = arith.addf %mul3A_675, %mul3A_676 : vector<32x2048xf32>
      %mul3A_678 = arith.constant 32 : i32
      %mul3A_679 = arith.muli %scan3A_571, %mul3A_678 : i32
      %swap3A_680 = arith.index_cast %mul3A_679 : i32 to index
      %swap3A_681 = arith.constant 0 : index
      %swap3A_682 = vector.load %arg28[%swap3A_680, %swap3A_681] : memref<2048x2048xf32, #tpu.memory_space<vmem>>, vector<32x2048xf32>
      tpu.vector_store %arg28[%swap3A_680, %swap3A_681], %add3A_677 {strides = array<i32>} : memref<2048x2048xf32, #tpu.memory_space<vmem>>, vector<32x2048xf32>,
      %get3A_683 = arith.index_cast %scan3A_571 : i32 to index
      %get3A_684 = arith.constant 2 : index
      %get3A_685 = memref.load %arg0[%get3A_683, %get3A_684] : memref<64x6xi32, #tpu.memory_space<smem>>
      %eq3A_686 = vector.broadcast %get3A_685 : i32 to vector<1x2048xi32>
      %eq3A_687 = arith.cmpi eq, %iota3A, %eq3A_686 : vector<1x2048xi32>
      %convert_element_type3A_688 = arith.extui %eq3A_687 : vector<1x2048xi1> to vector<1x2048xi32>
      %convert_element_type3A_689 = arith.sitofp %convert_element_type3A_688 : vector<1x2048xi32> to vector<1x2048xf32>
      %mul3A_690 = vector.broadcast %convert_element_type3A_689 : vector<1x2048xf32> to vector<32x2048xf32>
      %mul3A_691 = arith.mulf %add3A_677, %mul3A_690 : vector<32x2048xf32>
      %reduce_sum3A_692 = arith.constant dense<0.000000e+00> : vector<32xf32>
      %reduce_sum3A_693 = vector.multi_reduction <add>, %mul3A_691, %reduce_sum3A_692 [1] : vector<32x2048xf32> to vector<32xf32>
      %broadcast_in_dim3A_694 = vector.shape_cast %reduce_sum3A_693 : vector<32xf32> to vector<32x1xf32>
      %eq3A_695 = vector.broadcast %scan3A_571 : i32 to vector<1x64xi32>
      %eq3A_696 = arith.cmpi eq, %iota3A_70, %eq3A_695 : vector<1x64xi32>
      %convert_element_type3A_697 = arith.extui %eq3A_696 : vector<1x64xi1> to vector<1x64xi32>
      %convert_element_type3A_698 = arith.sitofp %convert_element_type3A_697 : vector<1x64xi32> to vector<1x64xf32>
      %mul3A_699 = vector.broadcast %broadcast_in_dim3A_694 : vector<32x1xf32> to vector<32x64xf32>
      %mul3A_700 = vector.broadcast %convert_element_type3A_698 : vector<1x64xf32> to vector<32x64xf32>
      %mul3A_701 = arith.mulf %mul3A_699, %mul3A_700 : vector<32x64xf32>
      %add3A_702 = arith.addf %scan3A_573, %mul3A_701 : vector<32x64xf32>
      %mul3A_703 = arith.mulf %broadcast_in_dim3A_694, %get3A_58 : vector<32x1xf32>
      %reduce_sum3A_704 = arith.constant dense<0.000000e+00> : vector<1xf32>
      %reduce_sum3A_705 = vector.multi_reduction <add>, %mul3A_703, %reduce_sum3A_704 [0] : vector<32x1xf32> to vector<1xf32>
      %broadcast_in_dim3A_706 = vector.shape_cast %reduce_sum3A_705 : vector<1xf32> to vector<1x1xf32>
      %mul3A_707 = vector.broadcast %broadcast_in_dim3A_706 : vector<1x1xf32> to vector<64x1xf32>
      %mul3A_708 = arith.mulf %mul3A_707, %convert_element_type3A_591 : vector<64x1xf32>
      %add3A_709 = arith.addf %scan3A_572, %mul3A_708 : vector<64x1xf32>
      %dot_general3A_710 = arith.constant dense<0.000000e+00> : vector<64x1xf32>
      %dot_general3A_711 = tpu.matmul %slice3A, %broadcast_in_dim3A_694, %dot_general3A_710 {dimension_numbers = #tpu.dot_dimension_numbers<[1], [0], [0], [1], [0, 0, 1, 1], [], []>, transpose_lhs_hint = false} : vector<64x32xf32>, vector<32x1xf32>, vector<64x1xf32> -> vector<64x1xf32>
      %dot_general3A_712 = arith.constant dense<0.000000e+00> : vector<64x1xf32>
      %dot_general3A_713 = tpu.matmul %add3A_259, %convert_element_type3A_591, %dot_general3A_712 {dimension_numbers = #tpu.dot_dimension_numbers<[1], [0], [0], [1], [0, 0, 1, 1], [], []>, transpose_lhs_hint = false} : vector<64x64xf32>, vector<64x1xf32>, vector<64x1xf32> -> vector<64x1xf32>
      %add3A_714 = arith.addf %dot_general3A_711, %dot_general3A_713 : vector<64x1xf32>
      %dot_general3A_715 = arith.constant dense<0.000000e+00> : vector<64x1xf32>
      %dot_general3A_716 = tpu.matmul %dot_general3A_262, %convert_element_type3A_591, %dot_general3A_715 {dimension_numbers = #tpu.dot_dimension_numbers<[1], [0], [0], [1], [0, 0, 1, 1], [], []>, transpose_lhs_hint = false} : vector<64x64xf32>, vector<64x1xf32>, vector<64x1xf32> -> vector<64x1xf32>
      %dot_general3A_717 = arith.constant dense<0.000000e+00> : vector<64x2048xf32>
      %dot_general3A_718 = tpu.matmul %get3A_7, %add3A_677, %dot_general3A_717 {dimension_numbers = #tpu.dot_dimension_numbers<[1], [0], [0], [1], [0, 0, 1, 1], [], []>, transpose_lhs_hint = false} : vector<64x32xf32>, vector<32x2048xf32>, vector<64x2048xf32> -> vector<64x2048xf32>
      %add3A_719 = vector.broadcast %add3A_714 : vector<64x1xf32> to vector<64x2048xf32>
      %add3A_720 = arith.addf %dot_general3A_718, %add3A_719 : vector<64x2048xf32>
      %add3A_721 = arith.addf %add3A_720, %dot_general3A_65 : vector<64x2048xf32>
      %mul3A_722 = vector.broadcast %dot_general3A_716 : vector<64x1xf32> to vector<64x2048xf32>
      %mul3A_723 = vector.broadcast %convert_element_type3A_689 : vector<1x2048xf32> to vector<64x2048xf32>
      %mul3A_724 = arith.mulf %mul3A_722, %mul3A_723 : vector<64x2048xf32>
      %add3A_725 = arith.addf %add3A_721, %mul3A_724 : vector<64x2048xf32>
      %max3A_726 = arith.constant 0.000000e+00 : f32
      %max3A_727 = vector.broadcast %max3A_726 : f32 to vector<64x2048xf32>
      %max3A_728 = arith.maximumf %add3A_725, %max3A_727 : vector<64x2048xf32>
      %dot_general3A_729 = arith.constant dense<0.000000e+00> : vector<64x2048xf32>
      %dot_general3A_730 = tpu.matmul %get3A_13, %max3A_728, %dot_general3A_729 {dimension_numbers = #tpu.dot_dimension_numbers<[1], [0], [0], [1], [0, 0, 1, 1], [], []>, transpose_lhs_hint = false} : vector<64x64xf32>, vector<64x2048xf32>, vector<64x2048xf32> -> vector<64x2048xf32>
      %add3A_731 = vector.broadcast %get3A_25 : vector<64x1xf32> to vector<64x2048xf32>
      %add3A_732 = arith.addf %dot_general3A_730, %add3A_731 : vector<64x2048xf32>
      %max3A_733 = arith.constant 0.000000e+00 : f32
      %max3A_734 = vector.broadcast %max3A_733 : f32 to vector<64x2048xf32>
      %max3A_735 = arith.maximumf %add3A_732, %max3A_734 : vector<64x2048xf32>
      %mul3A_736 = vector.broadcast %convert_element_type3A_68 : vector<1x2048xf32> to vector<64x2048xf32>
      %mul3A_737 = arith.mulf %max3A_735, %mul3A_736 : vector<64x2048xf32>
      %convert_element_type3A_738 = arith.truncf %mul3A_737 : vector<64x2048xf32> to vector<64x2048xbf16>
      %mul3A_739 = arith.constant 2 : i32
      %mul3A_740 = arith.muli %scan3A_571, %mul3A_739 : i32
      %mul3A_741 = arith.constant 32 : i32
      %mul3A_742 = arith.muli %mul3A_740, %mul3A_741 : i32
      %swap3A_743 = arith.index_cast %mul3A_742 : i32 to index
      %swap3A_744 = arith.constant 0 : index
      %swap3A_745 = vector.load %arg29[%swap3A_743, %swap3A_744] : memref<4096x2048xbf16, #tpu.memory_space<vmem>>, vector<64x2048xbf16>
      tpu.vector_store %arg29[%swap3A_743, %swap3A_744], %convert_element_type3A_738 {strides = array<i32>} : memref<4096x2048xbf16, #tpu.memory_space<vmem>>, vector<64x2048xbf16>,
      %reduce_sum3A_746 = arith.constant dense<0.000000e+00> : vector<64xf32>
      %reduce_sum3A_747 = vector.multi_reduction <add>, %mul3A_737, %reduce_sum3A_746 [1] : vector<64x2048xf32> to vector<64xf32>
      %broadcast_in_dim3A_748 = vector.shape_cast %reduce_sum3A_747 : vector<64xf32> to vector<64x1xf32>
      %add3A_749 = arith.addf %scan3A_574, %broadcast_in_dim3A_748 : vector<64x1xf32>
      %mul3A_750 = arith.mulf %mul3A_737, %mul3A_737 : vector<64x2048xf32>
      %reduce_sum3A_751 = arith.constant dense<0.000000e+00> : vector<64xf32>
      %reduce_sum3A_752 = vector.multi_reduction <add>, %mul3A_750, %reduce_sum3A_751 [1] : vector<64x2048xf32> to vector<64xf32>
      %broadcast_in_dim3A_753 = vector.shape_cast %reduce_sum3A_752 : vector<64xf32> to vector<64x1xf32>
      %add3A_754 = arith.addf %scan3A_575, %broadcast_in_dim3A_753 : vector<64x1xf32>
      scf.yield %add3A_709, %add3A_702, %add3A_749, %add3A_754 : vector<64x1xf32>, vector<32x64xf32>, vector<64x1xf32>, vector<64x1xf32>
    }
    %scan3A_272 = arith.constant 64 : i32
    %get3A_273 = arith.constant 0 : index
    %get3A_274 = arith.constant 0 : index
    %get3A_275 = vector.load %arg26[%get3A_273, %get3A_274] : memref<1x1xf32, #tpu.memory_space<vmem>>, vector<1x1xf32>
    %add3A_276 = vector.broadcast %get3A_275 : vector<1x1xf32> to vector<64x1xf32>
    %add3A_277 = arith.addf %scan3A_271#0, %add3A_276 : vector<64x1xf32>
    %logistic3A_278 = arith.negf %add3A_277 : vector<64x1xf32>
    %logistic3A_279 = math.exp %logistic3A_278 : vector<64x1xf32>
    %logistic3A_280 = arith.constant 1.000000e+00 : f32
    %logistic3A_281 = vector.broadcast %logistic3A_280 : f32 to vector<64x1xf32>
    %logistic3A_282 = arith.addf %logistic3A_281, %logistic3A_279 : vector<64x1xf32>
    %logistic3A_283 = arith.divf %logistic3A_281, %logistic3A_282 : vector<64x1xf32>
    %swap3A_284 = arith.constant 0 : index
    %swap3A_285 = arith.constant 1 : index
    %swap3A_286 = vector.load %arg27[%swap3A_284, %swap3A_285] : memref<64x5xf32, #tpu.memory_space<vmem>>, vector<64x1xf32>
    tpu.vector_store %arg27[%swap3A_284, %swap3A_285], %logistic3A_283 {strides = array<i32>} : memref<64x5xf32, #tpu.memory_space<vmem>>, vector<64x1xf32>,
    %mul3A_287 = arith.constant 7.812500e-06 : f32
    %mul3A_288 = vector.broadcast %mul3A_287 : f32 to vector<64x1xf32>
    %mul3A_289 = arith.mulf %scan3A_271#2, %mul3A_288 : vector<64x1xf32>
    %mul3A_290 = arith.constant 7.812500e-06 : f32
    %mul3A_291 = vector.broadcast %mul3A_290 : f32 to vector<64x1xf32>
    %mul3A_292 = arith.mulf %scan3A_271#3, %mul3A_291 : vector<64x1xf32>
    %mul3A_293 = arith.mulf %mul3A_289, %mul3A_289 : vector<64x1xf32>
    %sub3A_294 = arith.subf %mul3A_292, %mul3A_293 : vector<64x1xf32>
    %add3A_295 = arith.constant 9.99999974E-6 : f32
    %add3A_296 = vector.broadcast %add3A_295 : f32 to vector<64x1xf32>
    %add3A_297 = arith.addf %sub3A_294, %add3A_296 : vector<64x1xf32>
    %rsqrt3A_298 = math.rsqrt %add3A_297 : vector<64x1xf32>
    %mul3A_299 = arith.mulf %get3A_34, %rsqrt3A_298 : vector<64x1xf32>
    %mul3A_300 = arith.mulf %mul3A_289, %mul3A_299 : vector<64x1xf32>
    %sub3A_301 = arith.subf %get3A_37, %mul3A_300 : vector<64x1xf32>
    %get3A_302 = arith.constant 0 : index
    %get3A_303 = arith.constant 128 : index
    %get3A_304 = vector.load %arg1[%get3A_302, %get3A_303] : memref<32x320xf32, #tpu.memory_space<vmem>>, vector<32x64xf32>
    %concatenate3A_305 = tpu.concatenate %scan3A_271#1, %get3A_304 in 0 : vector<32x64xf32>, vector<32x64xf32> -> vector<64x64xf32>
    %dot_general3A_306 = arith.constant dense<0.000000e+00> : vector<32x64xf32>
    %dot_general3A_307 = tpu.matmul %get3A_40, %concatenate3A_305, %dot_general3A_306 {dimension_numbers = #tpu.dot_dimension_numbers<[1], [0], [0], [1], [0, 0, 1, 1], [], []>, transpose_lhs_hint = false} : vector<32x64xf32>, vector<64x64xf32>, vector<32x64xf32> -> vector<32x64xf32>
    %add3A_308 = vector.broadcast %get3A_46 : vector<32x1xf32> to vector<32x64xf32>
    %add3A_309 = arith.addf %dot_general3A_307, %add3A_308 : vector<32x64xf32>
    %max3A_310 = arith.constant 0.000000e+00 : f32
    %max3A_311 = vector.broadcast %max3A_310 : f32 to vector<32x64xf32>
    %max3A_312 = arith.maximumf %add3A_309, %max3A_311 : vector<32x64xf32>
    %dot_general3A_313 = arith.constant dense<0.000000e+00> : vector<32x64xf32>
    %dot_general3A_314 = tpu.matmul %get3A_43, %max3A_312, %dot_general3A_313 {dimension_numbers = #tpu.dot_dimension_numbers<[1], [0], [0], [1], [0, 0, 1, 1], [], []>, transpose_lhs_hint = false} : vector<32x32xf32>, vector<32x64xf32>, vector<32x64xf32> -> vector<32x64xf32>
    %add3A_315 = vector.broadcast %get3A_49 : vector<32x1xf32> to vector<32x64xf32>
    %add3A_316 = arith.addf %dot_general3A_314, %add3A_315 : vector<32x64xf32>
    %max3A_317 = arith.constant 0.000000e+00 : f32
    %max3A_318 = vector.broadcast %max3A_317 : f32 to vector<32x64xf32>
    %max3A_319 = arith.maximumf %add3A_316, %max3A_318 : vector<32x64xf32>
    %reduce_sum3A_320 = arith.constant dense<0.000000e+00> : vector<32xf32>
    %reduce_sum3A_321 = vector.multi_reduction <add>, %max3A_319, %reduce_sum3A_320 [1] : vector<32x64xf32> to vector<32xf32>
    %broadcast_in_dim3A_322 = vector.shape_cast %reduce_sum3A_321 : vector<32xf32> to vector<32x1xf32>
    %div3A_323 = arith.constant 6.400000e+01 : f32
    %div3A_324 = vector.broadcast %div3A_323 : f32 to vector<32x1xf32>
    %div3A_325 = arith.divf %broadcast_in_dim3A_322, %div3A_324 : vector<32x1xf32>
    %sub3A_326 = vector.broadcast %div3A_325 : vector<32x1xf32> to vector<32x64xf32>
    %sub3A_327 = arith.subf %max3A_319, %sub3A_326 : vector<32x64xf32>
    %sub3A_328 = vector.broadcast %div3A_325 : vector<32x1xf32> to vector<32x64xf32>
    %sub3A_329 = arith.subf %max3A_319, %sub3A_328 : vector<32x64xf32>
    %mul3A_330 = arith.mulf %sub3A_327, %sub3A_329 : vector<32x64xf32>
    %reduce_sum3A_331 = arith.constant dense<0.000000e+00> : vector<32xf32>
    %reduce_sum3A_332 = vector.multi_reduction <add>, %mul3A_330, %reduce_sum3A_331 [1] : vector<32x64xf32> to vector<32xf32>
    %broadcast_in_dim3A_333 = vector.shape_cast %reduce_sum3A_332 : vector<32xf32> to vector<32x1xf32>
    %div3A_334 = arith.constant 6.400000e+01 : f32
    %div3A_335 = vector.broadcast %div3A_334 : f32 to vector<32x1xf32>
    %div3A_336 = arith.divf %broadcast_in_dim3A_333, %div3A_335 : vector<32x1xf32>
    %sub3A_337 = vector.broadcast %div3A_325 : vector<32x1xf32> to vector<32x64xf32>
    %sub3A_338 = arith.subf %max3A_319, %sub3A_337 : vector<32x64xf32>
    %add3A_339 = arith.constant 9.99999974E-6 : f32
    %add3A_340 = vector.broadcast %add3A_339 : f32 to vector<32x1xf32>
    %add3A_341 = arith.addf %div3A_336, %add3A_340 : vector<32x1xf32>
    %rsqrt3A_342 = math.rsqrt %add3A_341 : vector<32x1xf32>
    %mul3A_343 = vector.broadcast %rsqrt3A_342 : vector<32x1xf32> to vector<32x64xf32>
    %mul3A_344 = arith.mulf %sub3A_338, %mul3A_343 : vector<32x64xf32>
    %mul3A_345 = vector.broadcast %get3A_52 : vector<32x1xf32> to vector<32x64xf32>
    %mul3A_346 = arith.mulf %mul3A_344, %mul3A_345 : vector<32x64xf32>
    %add3A_347 = vector.broadcast %get3A_55 : vector<32x1xf32> to vector<32x64xf32>
    %add3A_348 = arith.addf %mul3A_346, %add3A_347 : vector<32x64xf32>
    %get3A_349 = arith.constant 0 : index
    %get3A_350 = arith.constant 192 : index
    %get3A_351 = vector.load %arg1[%get3A_349, %get3A_350] : memref<32x320xf32, #tpu.memory_space<vmem>>, vector<32x64xf32>
    %get3A_352 = arith.constant 0 : index
    %get3A_353 = arith.constant 192 : index
    %get3A_354 = vector.load %arg2[%get3A_352, %get3A_353] : memref<32x320xf32, #tpu.memory_space<vmem>>, vector<32x64xf32>
    %slice3A_355 = vector.extract_strided_slice %get3A_4 {offsets = [0, 32], sizes = [64, 32], strides = [1, 1]} : vector<64x64xf32> to vector<64x32xf32>
    %dot_general3A_356 = arith.constant dense<0.000000e+00> : vector<64x64xf32>
    %dot_general3A_357 = tpu.matmul %slice3A_355, %get3A_351, %dot_general3A_356 {dimension_numbers = #tpu.dot_dimension_numbers<[1], [0], [0], [1], [0, 0, 1, 1], [], []>, transpose_lhs_hint = false} : vector<64x32xf32>, vector<32x64xf32>, vector<64x64xf32> -> vector<64x64xf32>
    %add3A_358 = vector.broadcast %get3A_22 : vector<64x1xf32> to vector<64x64xf32>
    %add3A_359 = arith.addf %dot_general3A_357, %add3A_358 : vector<64x64xf32>
    %sub3A_360 = arith.subf %get3A_351, %get3A_354 : vector<32x64xf32>
    %dot_general3A_361 = arith.constant dense<0.000000e+00> : vector<64x64xf32>
    %dot_general3A_362 = tpu.matmul %get3A_10, %sub3A_360, %dot_general3A_361 {dimension_numbers = #tpu.dot_dimension_numbers<[1], [0], [0], [1], [0, 0, 1, 1], [], []>, transpose_lhs_hint = false} : vector<64x32xf32>, vector<32x64xf32>, vector<64x64xf32> -> vector<64x64xf32>
    %broadcast_in_dim3A_363 = arith.constant 0.000000e+00 : f32
    %broadcast_in_dim3A_364 = vector.broadcast %broadcast_in_dim3A_363 : f32 to vector<64x1xf32>
    %broadcast_in_dim3A_365 = arith.constant 0.000000e+00 : f32
    %broadcast_in_dim3A_366 = vector.broadcast %broadcast_in_dim3A_365 : f32 to vector<32x64xf32>
    %scan3A_367 = arith.constant 0 : i32
    %scan3A_368 = arith.constant 64 : i32
    %scan3A_369 = arith.addi %scan3A_367, %scan3A_368 : i32
    %scan3A_370 = arith.constant 1 : i32
    %scan3A_371:4 = scf.for %scan3A_571 = %scan3A_367 to %scan3A_369 step %scan3A_370 iter_args(%scan3A_572 = %broadcast_in_dim3A_364, %scan3A_573 = %broadcast_in_dim3A_366, %scan3A_574 = %broadcast_in_dim3A_74, %scan3A_575 = %broadcast_in_dim3A_74) -> (vector<64x1xf32>, vector<32x64xf32>, vector<64x1xf32>, vector<64x1xf32>)  : i32 {
      %mul3A_576 = arith.constant 32 : i32
      %mul3A_577 = arith.muli %scan3A_571, %mul3A_576 : i32
      %get3A_578 = arith.index_cast %mul3A_577 : i32 to index
      %get3A_579 = arith.constant 0 : index
      %get3A_580 = vector.load %arg28[%get3A_578, %get3A_579] : memref<2048x2048xf32, #tpu.memory_space<vmem>>, vector<32x2048xf32>
      %mul3A_581 = arith.constant 2 : i32
      %mul3A_582 = arith.muli %scan3A_571, %mul3A_581 : i32
      %mul3A_583 = arith.constant 32 : i32
      %mul3A_584 = arith.muli %mul3A_582, %mul3A_583 : i32
      %get3A_585 = arith.index_cast %mul3A_584 : i32 to index
      %get3A_586 = arith.constant 0 : index
      %get3A_587 = vector.load %arg29[%get3A_585, %get3A_586] : memref<4096x2048xbf16, #tpu.memory_space<vmem>>, vector<64x2048xbf16>
      %convert_element_type3A_588 = arith.extf %get3A_587 : vector<64x2048xbf16> to vector<64x2048xf32>
      %eq3A = vector.broadcast %scan3A_571 : i32 to vector<64x1xi32>
      %eq3A_589 = arith.cmpi eq, %iota3A_69, %eq3A : vector<64x1xi32>
      %convert_element_type3A_590 = arith.extui %eq3A_589 : vector<64x1xi1> to vector<64x1xi32>
      %convert_element_type3A_591 = arith.sitofp %convert_element_type3A_590 : vector<64x1xi32> to vector<64x1xf32>
      %get3A_592 = arith.index_cast %scan3A_571 : i32 to index
      %get3A_593 = arith.constant 2 : index
      %get3A_594 = memref.load %arg0[%get3A_592, %get3A_593] : memref<64x6xi32, #tpu.memory_space<smem>>
      %eq3A_595 = vector.broadcast %get3A_594 : i32 to vector<1x2048xi32>
      %eq3A_596 = arith.cmpi eq, %iota3A, %eq3A_595 : vector<1x2048xi32>
      %convert_element_type3A_597 = arith.extui %eq3A_596 : vector<1x2048xi1> to vector<1x2048xi32>
      %convert_element_type3A_598 = arith.sitofp %convert_element_type3A_597 : vector<1x2048xi32> to vector<1x2048xf32>
      %mul3A_599 = vector.broadcast %mul3A_299 : vector<64x1xf32> to vector<64x2048xf32>
      %mul3A_600 = arith.mulf %convert_element_type3A_588, %mul3A_599 : vector<64x2048xf32>
      %add3A_601 = vector.broadcast %sub3A_301 : vector<64x1xf32> to vector<64x2048xf32>
      %add3A_602 = arith.addf %mul3A_600, %add3A_601 : vector<64x2048xf32>
      %slice3A_603 = vector.extract_strided_slice %add3A_602 {offsets = [0, 0], sizes = [32, 2048], strides = [1, 1]} : vector<64x2048xf32> to vector<32x2048xf32>
      %slice3A_604 = vector.extract_strided_slice %add3A_602 {offsets = [32, 0], sizes = [32, 2048], strides = [1, 1]} : vector<64x2048xf32> to vector<32x2048xf32>
      %get3A_605 = arith.index_cast %scan3A_571 : i32 to index
      %get3A_606 = arith.constant 2 : index
      %get3A_607 = memref.load %arg0[%get3A_605, %get3A_606] : memref<64x6xi32, #tpu.memory_space<smem>>
      %get3A_608 = arith.index_cast %get3A_607 : i32 to index
      %get3A_609 = arith.constant 0 : index
      %get3A_610 = vector.load %arg4[%get3A_608, %get3A_609] : memref<2000x2000xf32, #tpu.memory_space<vmem>>, vector<1x2000xf32>
      %concatenate3A_611 = tpu.concatenate %get3A_610, %broadcast_in_dim3A_72 in 1 : vector<1x2000xf32>, vector<1x48xf32> -> vector<1x2048xf32>
      %add3A_612 = arith.constant 128 : i32
      %add3A_613 = arith.addi %add3A_612, %scan3A_571 : i32
      %get3A_614 = arith.index_cast %add3A_613 : i32 to index
      %get3A_615 = arith.constant 0 : index
      %get3A_616 = vector.load %arg3[%get3A_614, %get3A_615] : memref<512x2048xf32, #tpu.memory_space<vmem>>, vector<1x2048xf32>
      %mul3A_617 = vector.broadcast %concatenate3A_611 : vector<1x2048xf32> to vector<32x2048xf32>
      %mul3A_618 = arith.mulf %mul3A_617, %slice3A_603 : vector<32x2048xf32>
      %mul3A_619 = vector.broadcast %get3A_616 : vector<1x2048xf32> to vector<32x2048xf32>
      %mul3A_620 = arith.mulf %mul3A_619, %slice3A_604 : vector<32x2048xf32>
      %add3A_621 = arith.addf %mul3A_618, %mul3A_620 : vector<32x2048xf32>
      %dot_general3A_622 = arith.constant dense<0.000000e+00> : vector<32x1xf32>
      %dot_general3A_623 = tpu.matmul %add3A_348, %convert_element_type3A_591, %dot_general3A_622 {dimension_numbers = #tpu.dot_dimension_numbers<[1], [0], [0], [1], [0, 0, 1, 1], [], []>, transpose_lhs_hint = false} : vector<32x64xf32>, vector<64x1xf32>, vector<32x1xf32> -> vector<32x1xf32>
      %sub3A_624 = vector.broadcast %dot_general3A_623 : vector<32x1xf32> to vector<32x2048xf32>
      %sub3A_625 = arith.subf %sub3A_624, %add3A_621 : vector<32x2048xf32>
      %mul3A_626 = vector.broadcast %convert_element_type3A_598 : vector<1x2048xf32> to vector<32x2048xf32>
      %mul3A_627 = arith.mulf %mul3A_626, %sub3A_625 : vector<32x2048xf32>
      %add3A_628 = arith.addf %add3A_621, %mul3A_627 : vector<32x2048xf32>
      %dot_general3A_629 = arith.constant dense<0.000000e+00> : vector<64x2048xf32>
      %dot_general3A_630 = tpu.matmul %get3A_16, %add3A_628, %dot_general3A_629 {dimension_numbers = #tpu.dot_dimension_numbers<[1], [0], [0], [1], [0, 0, 1, 1], [], []>, transpose_lhs_hint = false} : vector<64x32xf32>, vector<32x2048xf32>, vector<64x2048xf32> -> vector<64x2048xf32>
      %add3A_631 = vector.broadcast %get3A_28 : vector<64x1xf32> to vector<64x2048xf32>
      %add3A_632 = arith.addf %dot_general3A_630, %add3A_631 : vector<64x2048xf32>
      %slice3A_633 = vector.extract_strided_slice %add3A_632 {offsets = [0, 0], sizes = [32, 2048], strides = [1, 1]} : vector<64x2048xf32> to vector<32x2048xf32>
      %logistic3A_634 = arith.negf %slice3A_633 : vector<32x2048xf32>
      %logistic3A_635 = math.exp %logistic3A_634 : vector<32x2048xf32>
      %logistic3A_636 = arith.constant 1.000000e+00 : f32
      %logistic3A_637 = vector.broadcast %logistic3A_636 : f32 to vector<32x2048xf32>
      %logistic3A_638 = arith.addf %logistic3A_637, %logistic3A_635 : vector<32x2048xf32>
      %logistic3A_639 = arith.divf %logistic3A_637, %logistic3A_638 : vector<32x2048xf32>
      %slice3A_640 = vector.extract_strided_slice %add3A_632 {offsets = [32, 0], sizes = [32, 2048], strides = [1, 1]} : vector<64x2048xf32> to vector<32x2048xf32>
      %tanh3A = math.tanh %slice3A_640 : vector<32x2048xf32>
      %mul3A_641 = vector.broadcast %get3A_61 : vector<1x2048xf32> to vector<32x2048xf32>
      %mul3A_642 = arith.mulf %mul3A_641, %logistic3A_639 : vector<32x2048xf32>
      %mul3A_643 = arith.mulf %mul3A_642, %add3A_628 : vector<32x2048xf32>
      %sub3A_644 = arith.subf %add3A_628, %mul3A_643 : vector<32x2048xf32>
      %mul3A_645 = vector.broadcast %get3A_61 : vector<1x2048xf32> to vector<32x2048xf32>
      %mul3A_646 = arith.mulf %mul3A_645, %tanh3A : vector<32x2048xf32>
      %add3A_647 = arith.addf %sub3A_644, %mul3A_646 : vector<32x2048xf32>
      %concatenate3A_648 = tpu.concatenate %add3A_647, %get3A_580 in 0 : vector<32x2048xf32>, vector<32x2048xf32> -> vector<64x2048xf32>
      %dot_general3A_649 = arith.constant dense<0.000000e+00> : vector<128x2048xf32>
      %dot_general3A_650 = tpu.matmul %get3A_19, %concatenate3A_648, %dot_general3A_649 {dimension_numbers = #tpu.dot_dimension_numbers<[1], [0], [0], [1], [0, 0, 1, 1], [], []>, transpose_lhs_hint = false} : vector<128x64xf32>, vector<64x2048xf32>, vector<128x2048xf32> -> vector<128x2048xf32>
      %add3A_651 = vector.broadcast %get3A_31 : vector<128x1xf32> to vector<128x2048xf32>
      %add3A_652 = arith.addf %dot_general3A_650, %add3A_651 : vector<128x2048xf32>
      %slice3A_653 = vector.extract_strided_slice %add3A_652 {offsets = [0, 0], sizes = [32, 2048], strides = [1, 1]} : vector<128x2048xf32> to vector<32x2048xf32>
      %logistic3A_654 = arith.negf %slice3A_653 : vector<32x2048xf32>
      %logistic3A_655 = math.exp %logistic3A_654 : vector<32x2048xf32>
      %logistic3A_656 = arith.constant 1.000000e+00 : f32
      %logistic3A_657 = vector.broadcast %logistic3A_656 : f32 to vector<32x2048xf32>
      %logistic3A_658 = arith.addf %logistic3A_657, %logistic3A_655 : vector<32x2048xf32>
      %logistic3A_659 = arith.divf %logistic3A_657, %logistic3A_658 : vector<32x2048xf32>
      %slice3A_660 = vector.extract_strided_slice %add3A_652 {offsets = [32, 0], sizes = [32, 2048], strides = [1, 1]} : vector<128x2048xf32> to vector<32x2048xf32>
      %logistic3A_661 = arith.negf %slice3A_660 : vector<32x2048xf32>
      %logistic3A_662 = math.exp %logistic3A_661 : vector<32x2048xf32>
      %logistic3A_663 = arith.constant 1.000000e+00 : f32
      %logistic3A_664 = vector.broadcast %logistic3A_663 : f32 to vector<32x2048xf32>
      %logistic3A_665 = arith.addf %logistic3A_664, %logistic3A_662 : vector<32x2048xf32>
      %logistic3A_666 = arith.divf %logistic3A_664, %logistic3A_665 : vector<32x2048xf32>
      %slice3A_667 = vector.extract_strided_slice %add3A_652 {offsets = [64, 0], sizes = [32, 2048], strides = [1, 1]} : vector<128x2048xf32> to vector<32x2048xf32>
      %slice3A_668 = vector.extract_strided_slice %add3A_652 {offsets = [96, 0], sizes = [32, 2048], strides = [1, 1]} : vector<128x2048xf32> to vector<32x2048xf32>
      %mul3A_669 = arith.mulf %logistic3A_659, %slice3A_668 : vector<32x2048xf32>
      %add3A_670 = arith.addf %slice3A_667, %mul3A_669 : vector<32x2048xf32>
      %tanh3A_671 = math.tanh %add3A_670 : vector<32x2048xf32>
      %sub3A_672 = arith.constant 1.000000e+00 : f32
      %sub3A_673 = vector.broadcast %sub3A_672 : f32 to vector<32x2048xf32>
      %sub3A_674 = arith.subf %sub3A_673, %logistic3A_666 : vector<32x2048xf32>
      %mul3A_675 = arith.mulf %sub3A_674, %tanh3A_671 : vector<32x2048xf32>
      %mul3A_676 = arith.mulf %logistic3A_666, %get3A_580 : vector<32x2048xf32>
      %add3A_677 = arith.addf %mul3A_675, %mul3A_676 : vector<32x2048xf32>
      %mul3A_678 = arith.constant 32 : i32
      %mul3A_679 = arith.muli %scan3A_571, %mul3A_678 : i32
      %swap3A_680 = arith.index_cast %mul3A_679 : i32 to index
      %swap3A_681 = arith.constant 0 : index
      %swap3A_682 = vector.load %arg28[%swap3A_680, %swap3A_681] : memref<2048x2048xf32, #tpu.memory_space<vmem>>, vector<32x2048xf32>
      tpu.vector_store %arg28[%swap3A_680, %swap3A_681], %add3A_677 {strides = array<i32>} : memref<2048x2048xf32, #tpu.memory_space<vmem>>, vector<32x2048xf32>,
      %get3A_683 = arith.index_cast %scan3A_571 : i32 to index
      %get3A_684 = arith.constant 3 : index
      %get3A_685 = memref.load %arg0[%get3A_683, %get3A_684] : memref<64x6xi32, #tpu.memory_space<smem>>
      %eq3A_686 = vector.broadcast %get3A_685 : i32 to vector<1x2048xi32>
      %eq3A_687 = arith.cmpi eq, %iota3A, %eq3A_686 : vector<1x2048xi32>
      %convert_element_type3A_688 = arith.extui %eq3A_687 : vector<1x2048xi1> to vector<1x2048xi32>
      %convert_element_type3A_689 = arith.sitofp %convert_element_type3A_688 : vector<1x2048xi32> to vector<1x2048xf32>
      %mul3A_690 = vector.broadcast %convert_element_type3A_689 : vector<1x2048xf32> to vector<32x2048xf32>
      %mul3A_691 = arith.mulf %add3A_677, %mul3A_690 : vector<32x2048xf32>
      %reduce_sum3A_692 = arith.constant dense<0.000000e+00> : vector<32xf32>
      %reduce_sum3A_693 = vector.multi_reduction <add>, %mul3A_691, %reduce_sum3A_692 [1] : vector<32x2048xf32> to vector<32xf32>
      %broadcast_in_dim3A_694 = vector.shape_cast %reduce_sum3A_693 : vector<32xf32> to vector<32x1xf32>
      %eq3A_695 = vector.broadcast %scan3A_571 : i32 to vector<1x64xi32>
      %eq3A_696 = arith.cmpi eq, %iota3A_70, %eq3A_695 : vector<1x64xi32>
      %convert_element_type3A_697 = arith.extui %eq3A_696 : vector<1x64xi1> to vector<1x64xi32>
      %convert_element_type3A_698 = arith.sitofp %convert_element_type3A_697 : vector<1x64xi32> to vector<1x64xf32>
      %mul3A_699 = vector.broadcast %broadcast_in_dim3A_694 : vector<32x1xf32> to vector<32x64xf32>
      %mul3A_700 = vector.broadcast %convert_element_type3A_698 : vector<1x64xf32> to vector<32x64xf32>
      %mul3A_701 = arith.mulf %mul3A_699, %mul3A_700 : vector<32x64xf32>
      %add3A_702 = arith.addf %scan3A_573, %mul3A_701 : vector<32x64xf32>
      %mul3A_703 = arith.mulf %broadcast_in_dim3A_694, %get3A_58 : vector<32x1xf32>
      %reduce_sum3A_704 = arith.constant dense<0.000000e+00> : vector<1xf32>
      %reduce_sum3A_705 = vector.multi_reduction <add>, %mul3A_703, %reduce_sum3A_704 [0] : vector<32x1xf32> to vector<1xf32>
      %broadcast_in_dim3A_706 = vector.shape_cast %reduce_sum3A_705 : vector<1xf32> to vector<1x1xf32>
      %mul3A_707 = vector.broadcast %broadcast_in_dim3A_706 : vector<1x1xf32> to vector<64x1xf32>
      %mul3A_708 = arith.mulf %mul3A_707, %convert_element_type3A_591 : vector<64x1xf32>
      %add3A_709 = arith.addf %scan3A_572, %mul3A_708 : vector<64x1xf32>
      %dot_general3A_710 = arith.constant dense<0.000000e+00> : vector<64x1xf32>
      %dot_general3A_711 = tpu.matmul %slice3A, %broadcast_in_dim3A_694, %dot_general3A_710 {dimension_numbers = #tpu.dot_dimension_numbers<[1], [0], [0], [1], [0, 0, 1, 1], [], []>, transpose_lhs_hint = false} : vector<64x32xf32>, vector<32x1xf32>, vector<64x1xf32> -> vector<64x1xf32>
      %dot_general3A_712 = arith.constant dense<0.000000e+00> : vector<64x1xf32>
      %dot_general3A_713 = tpu.matmul %add3A_359, %convert_element_type3A_591, %dot_general3A_712 {dimension_numbers = #tpu.dot_dimension_numbers<[1], [0], [0], [1], [0, 0, 1, 1], [], []>, transpose_lhs_hint = false} : vector<64x64xf32>, vector<64x1xf32>, vector<64x1xf32> -> vector<64x1xf32>
      %add3A_714 = arith.addf %dot_general3A_711, %dot_general3A_713 : vector<64x1xf32>
      %dot_general3A_715 = arith.constant dense<0.000000e+00> : vector<64x1xf32>
      %dot_general3A_716 = tpu.matmul %dot_general3A_362, %convert_element_type3A_591, %dot_general3A_715 {dimension_numbers = #tpu.dot_dimension_numbers<[1], [0], [0], [1], [0, 0, 1, 1], [], []>, transpose_lhs_hint = false} : vector<64x64xf32>, vector<64x1xf32>, vector<64x1xf32> -> vector<64x1xf32>
      %dot_general3A_717 = arith.constant dense<0.000000e+00> : vector<64x2048xf32>
      %dot_general3A_718 = tpu.matmul %get3A_7, %add3A_677, %dot_general3A_717 {dimension_numbers = #tpu.dot_dimension_numbers<[1], [0], [0], [1], [0, 0, 1, 1], [], []>, transpose_lhs_hint = false} : vector<64x32xf32>, vector<32x2048xf32>, vector<64x2048xf32> -> vector<64x2048xf32>
      %add3A_719 = vector.broadcast %add3A_714 : vector<64x1xf32> to vector<64x2048xf32>
      %add3A_720 = arith.addf %dot_general3A_718, %add3A_719 : vector<64x2048xf32>
      %add3A_721 = arith.addf %add3A_720, %dot_general3A_65 : vector<64x2048xf32>
      %mul3A_722 = vector.broadcast %dot_general3A_716 : vector<64x1xf32> to vector<64x2048xf32>
      %mul3A_723 = vector.broadcast %convert_element_type3A_689 : vector<1x2048xf32> to vector<64x2048xf32>
      %mul3A_724 = arith.mulf %mul3A_722, %mul3A_723 : vector<64x2048xf32>
      %add3A_725 = arith.addf %add3A_721, %mul3A_724 : vector<64x2048xf32>
      %max3A_726 = arith.constant 0.000000e+00 : f32
      %max3A_727 = vector.broadcast %max3A_726 : f32 to vector<64x2048xf32>
      %max3A_728 = arith.maximumf %add3A_725, %max3A_727 : vector<64x2048xf32>
      %dot_general3A_729 = arith.constant dense<0.000000e+00> : vector<64x2048xf32>
      %dot_general3A_730 = tpu.matmul %get3A_13, %max3A_728, %dot_general3A_729 {dimension_numbers = #tpu.dot_dimension_numbers<[1], [0], [0], [1], [0, 0, 1, 1], [], []>, transpose_lhs_hint = false} : vector<64x64xf32>, vector<64x2048xf32>, vector<64x2048xf32> -> vector<64x2048xf32>
      %add3A_731 = vector.broadcast %get3A_25 : vector<64x1xf32> to vector<64x2048xf32>
      %add3A_732 = arith.addf %dot_general3A_730, %add3A_731 : vector<64x2048xf32>
      %max3A_733 = arith.constant 0.000000e+00 : f32
      %max3A_734 = vector.broadcast %max3A_733 : f32 to vector<64x2048xf32>
      %max3A_735 = arith.maximumf %add3A_732, %max3A_734 : vector<64x2048xf32>
      %mul3A_736 = vector.broadcast %convert_element_type3A_68 : vector<1x2048xf32> to vector<64x2048xf32>
      %mul3A_737 = arith.mulf %max3A_735, %mul3A_736 : vector<64x2048xf32>
      %convert_element_type3A_738 = arith.truncf %mul3A_737 : vector<64x2048xf32> to vector<64x2048xbf16>
      %mul3A_739 = arith.constant 2 : i32
      %mul3A_740 = arith.muli %scan3A_571, %mul3A_739 : i32
      %mul3A_741 = arith.constant 32 : i32
      %mul3A_742 = arith.muli %mul3A_740, %mul3A_741 : i32
      %swap3A_743 = arith.index_cast %mul3A_742 : i32 to index
      %swap3A_744 = arith.constant 0 : index
      %swap3A_745 = vector.load %arg29[%swap3A_743, %swap3A_744] : memref<4096x2048xbf16, #tpu.memory_space<vmem>>, vector<64x2048xbf16>
      tpu.vector_store %arg29[%swap3A_743, %swap3A_744], %convert_element_type3A_738 {strides = array<i32>} : memref<4096x2048xbf16, #tpu.memory_space<vmem>>, vector<64x2048xbf16>,
      %reduce_sum3A_746 = arith.constant dense<0.000000e+00> : vector<64xf32>
      %reduce_sum3A_747 = vector.multi_reduction <add>, %mul3A_737, %reduce_sum3A_746 [1] : vector<64x2048xf32> to vector<64xf32>
      %broadcast_in_dim3A_748 = vector.shape_cast %reduce_sum3A_747 : vector<64xf32> to vector<64x1xf32>
      %add3A_749 = arith.addf %scan3A_574, %broadcast_in_dim3A_748 : vector<64x1xf32>
      %mul3A_750 = arith.mulf %mul3A_737, %mul3A_737 : vector<64x2048xf32>
      %reduce_sum3A_751 = arith.constant dense<0.000000e+00> : vector<64xf32>
      %reduce_sum3A_752 = vector.multi_reduction <add>, %mul3A_750, %reduce_sum3A_751 [1] : vector<64x2048xf32> to vector<64xf32>
      %broadcast_in_dim3A_753 = vector.shape_cast %reduce_sum3A_752 : vector<64xf32> to vector<64x1xf32>
      %add3A_754 = arith.addf %scan3A_575, %broadcast_in_dim3A_753 : vector<64x1xf32>
      scf.yield %add3A_709, %add3A_702, %add3A_749, %add3A_754 : vector<64x1xf32>, vector<32x64xf32>, vector<64x1xf32>, vector<64x1xf32>
    }
    %scan3A_372 = arith.constant 64 : i32
    %get3A_373 = arith.constant 0 : index
    %get3A_374 = arith.constant 0 : index
    %get3A_375 = vector.load %arg26[%get3A_373, %get3A_374] : memref<1x1xf32, #tpu.memory_space<vmem>>, vector<1x1xf32>
    %add3A_376 = vector.broadcast %get3A_375 : vector<1x1xf32> to vector<64x1xf32>
    %add3A_377 = arith.addf %scan3A_371#0, %add3A_376 : vector<64x1xf32>
    %logistic3A_378 = arith.negf %add3A_377 : vector<64x1xf32>
    %logistic3A_379 = math.exp %logistic3A_378 : vector<64x1xf32>
    %logistic3A_380 = arith.constant 1.000000e+00 : f32
    %logistic3A_381 = vector.broadcast %logistic3A_380 : f32 to vector<64x1xf32>
    %logistic3A_382 = arith.addf %logistic3A_381, %logistic3A_379 : vector<64x1xf32>
    %logistic3A_383 = arith.divf %logistic3A_381, %logistic3A_382 : vector<64x1xf32>
    %swap3A_384 = arith.constant 0 : index
    %swap3A_385 = arith.constant 2 : index
    %swap3A_386 = vector.load %arg27[%swap3A_384, %swap3A_385] : memref<64x5xf32, #tpu.memory_space<vmem>>, vector<64x1xf32>
    tpu.vector_store %arg27[%swap3A_384, %swap3A_385], %logistic3A_383 {strides = array<i32>} : memref<64x5xf32, #tpu.memory_space<vmem>>, vector<64x1xf32>,
    %mul3A_387 = arith.constant 7.812500e-06 : f32
    %mul3A_388 = vector.broadcast %mul3A_387 : f32 to vector<64x1xf32>
    %mul3A_389 = arith.mulf %scan3A_371#2, %mul3A_388 : vector<64x1xf32>
    %mul3A_390 = arith.constant 7.812500e-06 : f32
    %mul3A_391 = vector.broadcast %mul3A_390 : f32 to vector<64x1xf32>
    %mul3A_392 = arith.mulf %scan3A_371#3, %mul3A_391 : vector<64x1xf32>
    %mul3A_393 = arith.mulf %mul3A_389, %mul3A_389 : vector<64x1xf32>
    %sub3A_394 = arith.subf %mul3A_392, %mul3A_393 : vector<64x1xf32>
    %add3A_395 = arith.constant 9.99999974E-6 : f32
    %add3A_396 = vector.broadcast %add3A_395 : f32 to vector<64x1xf32>
    %add3A_397 = arith.addf %sub3A_394, %add3A_396 : vector<64x1xf32>
    %rsqrt3A_398 = math.rsqrt %add3A_397 : vector<64x1xf32>
    %mul3A_399 = arith.mulf %get3A_34, %rsqrt3A_398 : vector<64x1xf32>
    %mul3A_400 = arith.mulf %mul3A_389, %mul3A_399 : vector<64x1xf32>
    %sub3A_401 = arith.subf %get3A_37, %mul3A_400 : vector<64x1xf32>
    %get3A_402 = arith.constant 0 : index
    %get3A_403 = arith.constant 192 : index
    %get3A_404 = vector.load %arg1[%get3A_402, %get3A_403] : memref<32x320xf32, #tpu.memory_space<vmem>>, vector<32x64xf32>
    %concatenate3A_405 = tpu.concatenate %scan3A_371#1, %get3A_404 in 0 : vector<32x64xf32>, vector<32x64xf32> -> vector<64x64xf32>
    %dot_general3A_406 = arith.constant dense<0.000000e+00> : vector<32x64xf32>
    %dot_general3A_407 = tpu.matmul %get3A_40, %concatenate3A_405, %dot_general3A_406 {dimension_numbers = #tpu.dot_dimension_numbers<[1], [0], [0], [1], [0, 0, 1, 1], [], []>, transpose_lhs_hint = false} : vector<32x64xf32>, vector<64x64xf32>, vector<32x64xf32> -> vector<32x64xf32>
    %add3A_408 = vector.broadcast %get3A_46 : vector<32x1xf32> to vector<32x64xf32>
    %add3A_409 = arith.addf %dot_general3A_407, %add3A_408 : vector<32x64xf32>
    %max3A_410 = arith.constant 0.000000e+00 : f32
    %max3A_411 = vector.broadcast %max3A_410 : f32 to vector<32x64xf32>
    %max3A_412 = arith.maximumf %add3A_409, %max3A_411 : vector<32x64xf32>
    %dot_general3A_413 = arith.constant dense<0.000000e+00> : vector<32x64xf32>
    %dot_general3A_414 = tpu.matmul %get3A_43, %max3A_412, %dot_general3A_413 {dimension_numbers = #tpu.dot_dimension_numbers<[1], [0], [0], [1], [0, 0, 1, 1], [], []>, transpose_lhs_hint = false} : vector<32x32xf32>, vector<32x64xf32>, vector<32x64xf32> -> vector<32x64xf32>
    %add3A_415 = vector.broadcast %get3A_49 : vector<32x1xf32> to vector<32x64xf32>
    %add3A_416 = arith.addf %dot_general3A_414, %add3A_415 : vector<32x64xf32>
    %max3A_417 = arith.constant 0.000000e+00 : f32
    %max3A_418 = vector.broadcast %max3A_417 : f32 to vector<32x64xf32>
    %max3A_419 = arith.maximumf %add3A_416, %max3A_418 : vector<32x64xf32>
    %reduce_sum3A_420 = arith.constant dense<0.000000e+00> : vector<32xf32>
    %reduce_sum3A_421 = vector.multi_reduction <add>, %max3A_419, %reduce_sum3A_420 [1] : vector<32x64xf32> to vector<32xf32>
    %broadcast_in_dim3A_422 = vector.shape_cast %reduce_sum3A_421 : vector<32xf32> to vector<32x1xf32>
    %div3A_423 = arith.constant 6.400000e+01 : f32
    %div3A_424 = vector.broadcast %div3A_423 : f32 to vector<32x1xf32>
    %div3A_425 = arith.divf %broadcast_in_dim3A_422, %div3A_424 : vector<32x1xf32>
    %sub3A_426 = vector.broadcast %div3A_425 : vector<32x1xf32> to vector<32x64xf32>
    %sub3A_427 = arith.subf %max3A_419, %sub3A_426 : vector<32x64xf32>
    %sub3A_428 = vector.broadcast %div3A_425 : vector<32x1xf32> to vector<32x64xf32>
    %sub3A_429 = arith.subf %max3A_419, %sub3A_428 : vector<32x64xf32>
    %mul3A_430 = arith.mulf %sub3A_427, %sub3A_429 : vector<32x64xf32>
    %reduce_sum3A_431 = arith.constant dense<0.000000e+00> : vector<32xf32>
    %reduce_sum3A_432 = vector.multi_reduction <add>, %mul3A_430, %reduce_sum3A_431 [1] : vector<32x64xf32> to vector<32xf32>
    %broadcast_in_dim3A_433 = vector.shape_cast %reduce_sum3A_432 : vector<32xf32> to vector<32x1xf32>
    %div3A_434 = arith.constant 6.400000e+01 : f32
    %div3A_435 = vector.broadcast %div3A_434 : f32 to vector<32x1xf32>
    %div3A_436 = arith.divf %broadcast_in_dim3A_433, %div3A_435 : vector<32x1xf32>
    %sub3A_437 = vector.broadcast %div3A_425 : vector<32x1xf32> to vector<32x64xf32>
    %sub3A_438 = arith.subf %max3A_419, %sub3A_437 : vector<32x64xf32>
    %add3A_439 = arith.constant 9.99999974E-6 : f32
    %add3A_440 = vector.broadcast %add3A_439 : f32 to vector<32x1xf32>
    %add3A_441 = arith.addf %div3A_436, %add3A_440 : vector<32x1xf32>
    %rsqrt3A_442 = math.rsqrt %add3A_441 : vector<32x1xf32>
    %mul3A_443 = vector.broadcast %rsqrt3A_442 : vector<32x1xf32> to vector<32x64xf32>
    %mul3A_444 = arith.mulf %sub3A_438, %mul3A_443 : vector<32x64xf32>
    %mul3A_445 = vector.broadcast %get3A_52 : vector<32x1xf32> to vector<32x64xf32>
    %mul3A_446 = arith.mulf %mul3A_444, %mul3A_445 : vector<32x64xf32>
    %add3A_447 = vector.broadcast %get3A_55 : vector<32x1xf32> to vector<32x64xf32>
    %add3A_448 = arith.addf %mul3A_446, %add3A_447 : vector<32x64xf32>
    %get3A_449 = arith.constant 0 : index
    %get3A_450 = arith.constant 256 : index
    %get3A_451 = vector.load %arg1[%get3A_449, %get3A_450] : memref<32x320xf32, #tpu.memory_space<vmem>>, vector<32x64xf32>
    %get3A_452 = arith.constant 0 : index
    %get3A_453 = arith.constant 256 : index
    %get3A_454 = vector.load %arg2[%get3A_452, %get3A_453] : memref<32x320xf32, #tpu.memory_space<vmem>>, vector<32x64xf32>
    %slice3A_455 = vector.extract_strided_slice %get3A_4 {offsets = [0, 32], sizes = [64, 32], strides = [1, 1]} : vector<64x64xf32> to vector<64x32xf32>
    %dot_general3A_456 = arith.constant dense<0.000000e+00> : vector<64x64xf32>
    %dot_general3A_457 = tpu.matmul %slice3A_455, %get3A_451, %dot_general3A_456 {dimension_numbers = #tpu.dot_dimension_numbers<[1], [0], [0], [1], [0, 0, 1, 1], [], []>, transpose_lhs_hint = false} : vector<64x32xf32>, vector<32x64xf32>, vector<64x64xf32> -> vector<64x64xf32>
    %add3A_458 = vector.broadcast %get3A_22 : vector<64x1xf32> to vector<64x64xf32>
    %add3A_459 = arith.addf %dot_general3A_457, %add3A_458 : vector<64x64xf32>
    %sub3A_460 = arith.subf %get3A_451, %get3A_454 : vector<32x64xf32>
    %dot_general3A_461 = arith.constant dense<0.000000e+00> : vector<64x64xf32>
    %dot_general3A_462 = tpu.matmul %get3A_10, %sub3A_460, %dot_general3A_461 {dimension_numbers = #tpu.dot_dimension_numbers<[1], [0], [0], [1], [0, 0, 1, 1], [], []>, transpose_lhs_hint = false} : vector<64x32xf32>, vector<32x64xf32>, vector<64x64xf32> -> vector<64x64xf32>
    %broadcast_in_dim3A_463 = arith.constant 0.000000e+00 : f32
    %broadcast_in_dim3A_464 = vector.broadcast %broadcast_in_dim3A_463 : f32 to vector<64x1xf32>
    %broadcast_in_dim3A_465 = arith.constant 0.000000e+00 : f32
    %broadcast_in_dim3A_466 = vector.broadcast %broadcast_in_dim3A_465 : f32 to vector<32x64xf32>
    %scan3A_467 = arith.constant 0 : i32
    %scan3A_468 = arith.constant 64 : i32
    %scan3A_469 = arith.addi %scan3A_467, %scan3A_468 : i32
    %scan3A_470 = arith.constant 1 : i32
    %scan3A_471:4 = scf.for %scan3A_571 = %scan3A_467 to %scan3A_469 step %scan3A_470 iter_args(%scan3A_572 = %broadcast_in_dim3A_464, %scan3A_573 = %broadcast_in_dim3A_466, %scan3A_574 = %broadcast_in_dim3A_74, %scan3A_575 = %broadcast_in_dim3A_74) -> (vector<64x1xf32>, vector<32x64xf32>, vector<64x1xf32>, vector<64x1xf32>)  : i32 {
      %mul3A_576 = arith.constant 32 : i32
      %mul3A_577 = arith.muli %scan3A_571, %mul3A_576 : i32
      %get3A_578 = arith.index_cast %mul3A_577 : i32 to index
      %get3A_579 = arith.constant 0 : index
      %get3A_580 = vector.load %arg28[%get3A_578, %get3A_579] : memref<2048x2048xf32, #tpu.memory_space<vmem>>, vector<32x2048xf32>
      %mul3A_581 = arith.constant 2 : i32
      %mul3A_582 = arith.muli %scan3A_571, %mul3A_581 : i32
      %mul3A_583 = arith.constant 32 : i32
      %mul3A_584 = arith.muli %mul3A_582, %mul3A_583 : i32
      %get3A_585 = arith.index_cast %mul3A_584 : i32 to index
      %get3A_586 = arith.constant 0 : index
      %get3A_587 = vector.load %arg29[%get3A_585, %get3A_586] : memref<4096x2048xbf16, #tpu.memory_space<vmem>>, vector<64x2048xbf16>
      %convert_element_type3A_588 = arith.extf %get3A_587 : vector<64x2048xbf16> to vector<64x2048xf32>
      %eq3A = vector.broadcast %scan3A_571 : i32 to vector<64x1xi32>
      %eq3A_589 = arith.cmpi eq, %iota3A_69, %eq3A : vector<64x1xi32>
      %convert_element_type3A_590 = arith.extui %eq3A_589 : vector<64x1xi1> to vector<64x1xi32>
      %convert_element_type3A_591 = arith.sitofp %convert_element_type3A_590 : vector<64x1xi32> to vector<64x1xf32>
      %get3A_592 = arith.index_cast %scan3A_571 : i32 to index
      %get3A_593 = arith.constant 3 : index
      %get3A_594 = memref.load %arg0[%get3A_592, %get3A_593] : memref<64x6xi32, #tpu.memory_space<smem>>
      %eq3A_595 = vector.broadcast %get3A_594 : i32 to vector<1x2048xi32>
      %eq3A_596 = arith.cmpi eq, %iota3A, %eq3A_595 : vector<1x2048xi32>
      %convert_element_type3A_597 = arith.extui %eq3A_596 : vector<1x2048xi1> to vector<1x2048xi32>
      %convert_element_type3A_598 = arith.sitofp %convert_element_type3A_597 : vector<1x2048xi32> to vector<1x2048xf32>
      %mul3A_599 = vector.broadcast %mul3A_399 : vector<64x1xf32> to vector<64x2048xf32>
      %mul3A_600 = arith.mulf %convert_element_type3A_588, %mul3A_599 : vector<64x2048xf32>
      %add3A_601 = vector.broadcast %sub3A_401 : vector<64x1xf32> to vector<64x2048xf32>
      %add3A_602 = arith.addf %mul3A_600, %add3A_601 : vector<64x2048xf32>
      %slice3A_603 = vector.extract_strided_slice %add3A_602 {offsets = [0, 0], sizes = [32, 2048], strides = [1, 1]} : vector<64x2048xf32> to vector<32x2048xf32>
      %slice3A_604 = vector.extract_strided_slice %add3A_602 {offsets = [32, 0], sizes = [32, 2048], strides = [1, 1]} : vector<64x2048xf32> to vector<32x2048xf32>
      %get3A_605 = arith.index_cast %scan3A_571 : i32 to index
      %get3A_606 = arith.constant 3 : index
      %get3A_607 = memref.load %arg0[%get3A_605, %get3A_606] : memref<64x6xi32, #tpu.memory_space<smem>>
      %get3A_608 = arith.index_cast %get3A_607 : i32 to index
      %get3A_609 = arith.constant 0 : index
      %get3A_610 = vector.load %arg4[%get3A_608, %get3A_609] : memref<2000x2000xf32, #tpu.memory_space<vmem>>, vector<1x2000xf32>
      %concatenate3A_611 = tpu.concatenate %get3A_610, %broadcast_in_dim3A_72 in 1 : vector<1x2000xf32>, vector<1x48xf32> -> vector<1x2048xf32>
      %add3A_612 = arith.constant 192 : i32
      %add3A_613 = arith.addi %add3A_612, %scan3A_571 : i32
      %get3A_614 = arith.index_cast %add3A_613 : i32 to index
      %get3A_615 = arith.constant 0 : index
      %get3A_616 = vector.load %arg3[%get3A_614, %get3A_615] : memref<512x2048xf32, #tpu.memory_space<vmem>>, vector<1x2048xf32>
      %mul3A_617 = vector.broadcast %concatenate3A_611 : vector<1x2048xf32> to vector<32x2048xf32>
      %mul3A_618 = arith.mulf %mul3A_617, %slice3A_603 : vector<32x2048xf32>
      %mul3A_619 = vector.broadcast %get3A_616 : vector<1x2048xf32> to vector<32x2048xf32>
      %mul3A_620 = arith.mulf %mul3A_619, %slice3A_604 : vector<32x2048xf32>
      %add3A_621 = arith.addf %mul3A_618, %mul3A_620 : vector<32x2048xf32>
      %dot_general3A_622 = arith.constant dense<0.000000e+00> : vector<32x1xf32>
      %dot_general3A_623 = tpu.matmul %add3A_448, %convert_element_type3A_591, %dot_general3A_622 {dimension_numbers = #tpu.dot_dimension_numbers<[1], [0], [0], [1], [0, 0, 1, 1], [], []>, transpose_lhs_hint = false} : vector<32x64xf32>, vector<64x1xf32>, vector<32x1xf32> -> vector<32x1xf32>
      %sub3A_624 = vector.broadcast %dot_general3A_623 : vector<32x1xf32> to vector<32x2048xf32>
      %sub3A_625 = arith.subf %sub3A_624, %add3A_621 : vector<32x2048xf32>
      %mul3A_626 = vector.broadcast %convert_element_type3A_598 : vector<1x2048xf32> to vector<32x2048xf32>
      %mul3A_627 = arith.mulf %mul3A_626, %sub3A_625 : vector<32x2048xf32>
      %add3A_628 = arith.addf %add3A_621, %mul3A_627 : vector<32x2048xf32>
      %dot_general3A_629 = arith.constant dense<0.000000e+00> : vector<64x2048xf32>
      %dot_general3A_630 = tpu.matmul %get3A_16, %add3A_628, %dot_general3A_629 {dimension_numbers = #tpu.dot_dimension_numbers<[1], [0], [0], [1], [0, 0, 1, 1], [], []>, transpose_lhs_hint = false} : vector<64x32xf32>, vector<32x2048xf32>, vector<64x2048xf32> -> vector<64x2048xf32>
      %add3A_631 = vector.broadcast %get3A_28 : vector<64x1xf32> to vector<64x2048xf32>
      %add3A_632 = arith.addf %dot_general3A_630, %add3A_631 : vector<64x2048xf32>
      %slice3A_633 = vector.extract_strided_slice %add3A_632 {offsets = [0, 0], sizes = [32, 2048], strides = [1, 1]} : vector<64x2048xf32> to vector<32x2048xf32>
      %logistic3A_634 = arith.negf %slice3A_633 : vector<32x2048xf32>
      %logistic3A_635 = math.exp %logistic3A_634 : vector<32x2048xf32>
      %logistic3A_636 = arith.constant 1.000000e+00 : f32
      %logistic3A_637 = vector.broadcast %logistic3A_636 : f32 to vector<32x2048xf32>
      %logistic3A_638 = arith.addf %logistic3A_637, %logistic3A_635 : vector<32x2048xf32>
      %logistic3A_639 = arith.divf %logistic3A_637, %logistic3A_638 : vector<32x2048xf32>
      %slice3A_640 = vector.extract_strided_slice %add3A_632 {offsets = [32, 0], sizes = [32, 2048], strides = [1, 1]} : vector<64x2048xf32> to vector<32x2048xf32>
      %tanh3A = math.tanh %slice3A_640 : vector<32x2048xf32>
      %mul3A_641 = vector.broadcast %get3A_61 : vector<1x2048xf32> to vector<32x2048xf32>
      %mul3A_642 = arith.mulf %mul3A_641, %logistic3A_639 : vector<32x2048xf32>
      %mul3A_643 = arith.mulf %mul3A_642, %add3A_628 : vector<32x2048xf32>
      %sub3A_644 = arith.subf %add3A_628, %mul3A_643 : vector<32x2048xf32>
      %mul3A_645 = vector.broadcast %get3A_61 : vector<1x2048xf32> to vector<32x2048xf32>
      %mul3A_646 = arith.mulf %mul3A_645, %tanh3A : vector<32x2048xf32>
      %add3A_647 = arith.addf %sub3A_644, %mul3A_646 : vector<32x2048xf32>
      %concatenate3A_648 = tpu.concatenate %add3A_647, %get3A_580 in 0 : vector<32x2048xf32>, vector<32x2048xf32> -> vector<64x2048xf32>
      %dot_general3A_649 = arith.constant dense<0.000000e+00> : vector<128x2048xf32>
      %dot_general3A_650 = tpu.matmul %get3A_19, %concatenate3A_648, %dot_general3A_649 {dimension_numbers = #tpu.dot_dimension_numbers<[1], [0], [0], [1], [0, 0, 1, 1], [], []>, transpose_lhs_hint = false} : vector<128x64xf32>, vector<64x2048xf32>, vector<128x2048xf32> -> vector<128x2048xf32>
      %add3A_651 = vector.broadcast %get3A_31 : vector<128x1xf32> to vector<128x2048xf32>
      %add3A_652 = arith.addf %dot_general3A_650, %add3A_651 : vector<128x2048xf32>
      %slice3A_653 = vector.extract_strided_slice %add3A_652 {offsets = [0, 0], sizes = [32, 2048], strides = [1, 1]} : vector<128x2048xf32> to vector<32x2048xf32>
      %logistic3A_654 = arith.negf %slice3A_653 : vector<32x2048xf32>
      %logistic3A_655 = math.exp %logistic3A_654 : vector<32x2048xf32>
      %logistic3A_656 = arith.constant 1.000000e+00 : f32
      %logistic3A_657 = vector.broadcast %logistic3A_656 : f32 to vector<32x2048xf32>
      %logistic3A_658 = arith.addf %logistic3A_657, %logistic3A_655 : vector<32x2048xf32>
      %logistic3A_659 = arith.divf %logistic3A_657, %logistic3A_658 : vector<32x2048xf32>
      %slice3A_660 = vector.extract_strided_slice %add3A_652 {offsets = [32, 0], sizes = [32, 2048], strides = [1, 1]} : vector<128x2048xf32> to vector<32x2048xf32>
      %logistic3A_661 = arith.negf %slice3A_660 : vector<32x2048xf32>
      %logistic3A_662 = math.exp %logistic3A_661 : vector<32x2048xf32>
      %logistic3A_663 = arith.constant 1.000000e+00 : f32
      %logistic3A_664 = vector.broadcast %logistic3A_663 : f32 to vector<32x2048xf32>
      %logistic3A_665 = arith.addf %logistic3A_664, %logistic3A_662 : vector<32x2048xf32>
      %logistic3A_666 = arith.divf %logistic3A_664, %logistic3A_665 : vector<32x2048xf32>
      %slice3A_667 = vector.extract_strided_slice %add3A_652 {offsets = [64, 0], sizes = [32, 2048], strides = [1, 1]} : vector<128x2048xf32> to vector<32x2048xf32>
      %slice3A_668 = vector.extract_strided_slice %add3A_652 {offsets = [96, 0], sizes = [32, 2048], strides = [1, 1]} : vector<128x2048xf32> to vector<32x2048xf32>
      %mul3A_669 = arith.mulf %logistic3A_659, %slice3A_668 : vector<32x2048xf32>
      %add3A_670 = arith.addf %slice3A_667, %mul3A_669 : vector<32x2048xf32>
      %tanh3A_671 = math.tanh %add3A_670 : vector<32x2048xf32>
      %sub3A_672 = arith.constant 1.000000e+00 : f32
      %sub3A_673 = vector.broadcast %sub3A_672 : f32 to vector<32x2048xf32>
      %sub3A_674 = arith.subf %sub3A_673, %logistic3A_666 : vector<32x2048xf32>
      %mul3A_675 = arith.mulf %sub3A_674, %tanh3A_671 : vector<32x2048xf32>
      %mul3A_676 = arith.mulf %logistic3A_666, %get3A_580 : vector<32x2048xf32>
      %add3A_677 = arith.addf %mul3A_675, %mul3A_676 : vector<32x2048xf32>
      %mul3A_678 = arith.constant 32 : i32
      %mul3A_679 = arith.muli %scan3A_571, %mul3A_678 : i32
      %swap3A_680 = arith.index_cast %mul3A_679 : i32 to index
      %swap3A_681 = arith.constant 0 : index
      %swap3A_682 = vector.load %arg28[%swap3A_680, %swap3A_681] : memref<2048x2048xf32, #tpu.memory_space<vmem>>, vector<32x2048xf32>
      tpu.vector_store %arg28[%swap3A_680, %swap3A_681], %add3A_677 {strides = array<i32>} : memref<2048x2048xf32, #tpu.memory_space<vmem>>, vector<32x2048xf32>,
      %get3A_683 = arith.index_cast %scan3A_571 : i32 to index
      %get3A_684 = arith.constant 4 : index
      %get3A_685 = memref.load %arg0[%get3A_683, %get3A_684] : memref<64x6xi32, #tpu.memory_space<smem>>
      %eq3A_686 = vector.broadcast %get3A_685 : i32 to vector<1x2048xi32>
      %eq3A_687 = arith.cmpi eq, %iota3A, %eq3A_686 : vector<1x2048xi32>
      %convert_element_type3A_688 = arith.extui %eq3A_687 : vector<1x2048xi1> to vector<1x2048xi32>
      %convert_element_type3A_689 = arith.sitofp %convert_element_type3A_688 : vector<1x2048xi32> to vector<1x2048xf32>
      %mul3A_690 = vector.broadcast %convert_element_type3A_689 : vector<1x2048xf32> to vector<32x2048xf32>
      %mul3A_691 = arith.mulf %add3A_677, %mul3A_690 : vector<32x2048xf32>
      %reduce_sum3A_692 = arith.constant dense<0.000000e+00> : vector<32xf32>
      %reduce_sum3A_693 = vector.multi_reduction <add>, %mul3A_691, %reduce_sum3A_692 [1] : vector<32x2048xf32> to vector<32xf32>
      %broadcast_in_dim3A_694 = vector.shape_cast %reduce_sum3A_693 : vector<32xf32> to vector<32x1xf32>
      %eq3A_695 = vector.broadcast %scan3A_571 : i32 to vector<1x64xi32>
      %eq3A_696 = arith.cmpi eq, %iota3A_70, %eq3A_695 : vector<1x64xi32>
      %convert_element_type3A_697 = arith.extui %eq3A_696 : vector<1x64xi1> to vector<1x64xi32>
      %convert_element_type3A_698 = arith.sitofp %convert_element_type3A_697 : vector<1x64xi32> to vector<1x64xf32>
      %mul3A_699 = vector.broadcast %broadcast_in_dim3A_694 : vector<32x1xf32> to vector<32x64xf32>
      %mul3A_700 = vector.broadcast %convert_element_type3A_698 : vector<1x64xf32> to vector<32x64xf32>
      %mul3A_701 = arith.mulf %mul3A_699, %mul3A_700 : vector<32x64xf32>
      %add3A_702 = arith.addf %scan3A_573, %mul3A_701 : vector<32x64xf32>
      %mul3A_703 = arith.mulf %broadcast_in_dim3A_694, %get3A_58 : vector<32x1xf32>
      %reduce_sum3A_704 = arith.constant dense<0.000000e+00> : vector<1xf32>
      %reduce_sum3A_705 = vector.multi_reduction <add>, %mul3A_703, %reduce_sum3A_704 [0] : vector<32x1xf32> to vector<1xf32>
      %broadcast_in_dim3A_706 = vector.shape_cast %reduce_sum3A_705 : vector<1xf32> to vector<1x1xf32>
      %mul3A_707 = vector.broadcast %broadcast_in_dim3A_706 : vector<1x1xf32> to vector<64x1xf32>
      %mul3A_708 = arith.mulf %mul3A_707, %convert_element_type3A_591 : vector<64x1xf32>
      %add3A_709 = arith.addf %scan3A_572, %mul3A_708 : vector<64x1xf32>
      %dot_general3A_710 = arith.constant dense<0.000000e+00> : vector<64x1xf32>
      %dot_general3A_711 = tpu.matmul %slice3A, %broadcast_in_dim3A_694, %dot_general3A_710 {dimension_numbers = #tpu.dot_dimension_numbers<[1], [0], [0], [1], [0, 0, 1, 1], [], []>, transpose_lhs_hint = false} : vector<64x32xf32>, vector<32x1xf32>, vector<64x1xf32> -> vector<64x1xf32>
      %dot_general3A_712 = arith.constant dense<0.000000e+00> : vector<64x1xf32>
      %dot_general3A_713 = tpu.matmul %add3A_459, %convert_element_type3A_591, %dot_general3A_712 {dimension_numbers = #tpu.dot_dimension_numbers<[1], [0], [0], [1], [0, 0, 1, 1], [], []>, transpose_lhs_hint = false} : vector<64x64xf32>, vector<64x1xf32>, vector<64x1xf32> -> vector<64x1xf32>
      %add3A_714 = arith.addf %dot_general3A_711, %dot_general3A_713 : vector<64x1xf32>
      %dot_general3A_715 = arith.constant dense<0.000000e+00> : vector<64x1xf32>
      %dot_general3A_716 = tpu.matmul %dot_general3A_462, %convert_element_type3A_591, %dot_general3A_715 {dimension_numbers = #tpu.dot_dimension_numbers<[1], [0], [0], [1], [0, 0, 1, 1], [], []>, transpose_lhs_hint = false} : vector<64x64xf32>, vector<64x1xf32>, vector<64x1xf32> -> vector<64x1xf32>
      %dot_general3A_717 = arith.constant dense<0.000000e+00> : vector<64x2048xf32>
      %dot_general3A_718 = tpu.matmul %get3A_7, %add3A_677, %dot_general3A_717 {dimension_numbers = #tpu.dot_dimension_numbers<[1], [0], [0], [1], [0, 0, 1, 1], [], []>, transpose_lhs_hint = false} : vector<64x32xf32>, vector<32x2048xf32>, vector<64x2048xf32> -> vector<64x2048xf32>
      %add3A_719 = vector.broadcast %add3A_714 : vector<64x1xf32> to vector<64x2048xf32>
      %add3A_720 = arith.addf %dot_general3A_718, %add3A_719 : vector<64x2048xf32>
      %add3A_721 = arith.addf %add3A_720, %dot_general3A_65 : vector<64x2048xf32>
      %mul3A_722 = vector.broadcast %dot_general3A_716 : vector<64x1xf32> to vector<64x2048xf32>
      %mul3A_723 = vector.broadcast %convert_element_type3A_689 : vector<1x2048xf32> to vector<64x2048xf32>
      %mul3A_724 = arith.mulf %mul3A_722, %mul3A_723 : vector<64x2048xf32>
      %add3A_725 = arith.addf %add3A_721, %mul3A_724 : vector<64x2048xf32>
      %max3A_726 = arith.constant 0.000000e+00 : f32
      %max3A_727 = vector.broadcast %max3A_726 : f32 to vector<64x2048xf32>
      %max3A_728 = arith.maximumf %add3A_725, %max3A_727 : vector<64x2048xf32>
      %dot_general3A_729 = arith.constant dense<0.000000e+00> : vector<64x2048xf32>
      %dot_general3A_730 = tpu.matmul %get3A_13, %max3A_728, %dot_general3A_729 {dimension_numbers = #tpu.dot_dimension_numbers<[1], [0], [0], [1], [0, 0, 1, 1], [], []>, transpose_lhs_hint = false} : vector<64x64xf32>, vector<64x2048xf32>, vector<64x2048xf32> -> vector<64x2048xf32>
      %add3A_731 = vector.broadcast %get3A_25 : vector<64x1xf32> to vector<64x2048xf32>
      %add3A_732 = arith.addf %dot_general3A_730, %add3A_731 : vector<64x2048xf32>
      %max3A_733 = arith.constant 0.000000e+00 : f32
      %max3A_734 = vector.broadcast %max3A_733 : f32 to vector<64x2048xf32>
      %max3A_735 = arith.maximumf %add3A_732, %max3A_734 : vector<64x2048xf32>
      %mul3A_736 = vector.broadcast %convert_element_type3A_68 : vector<1x2048xf32> to vector<64x2048xf32>
      %mul3A_737 = arith.mulf %max3A_735, %mul3A_736 : vector<64x2048xf32>
      %convert_element_type3A_738 = arith.truncf %mul3A_737 : vector<64x2048xf32> to vector<64x2048xbf16>
      %mul3A_739 = arith.constant 2 : i32
      %mul3A_740 = arith.muli %scan3A_571, %mul3A_739 : i32
      %mul3A_741 = arith.constant 32 : i32
      %mul3A_742 = arith.muli %mul3A_740, %mul3A_741 : i32
      %swap3A_743 = arith.index_cast %mul3A_742 : i32 to index
      %swap3A_744 = arith.constant 0 : index
      %swap3A_745 = vector.load %arg29[%swap3A_743, %swap3A_744] : memref<4096x2048xbf16, #tpu.memory_space<vmem>>, vector<64x2048xbf16>
      tpu.vector_store %arg29[%swap3A_743, %swap3A_744], %convert_element_type3A_738 {strides = array<i32>} : memref<4096x2048xbf16, #tpu.memory_space<vmem>>, vector<64x2048xbf16>,
      %reduce_sum3A_746 = arith.constant dense<0.000000e+00> : vector<64xf32>
      %reduce_sum3A_747 = vector.multi_reduction <add>, %mul3A_737, %reduce_sum3A_746 [1] : vector<64x2048xf32> to vector<64xf32>
      %broadcast_in_dim3A_748 = vector.shape_cast %reduce_sum3A_747 : vector<64xf32> to vector<64x1xf32>
      %add3A_749 = arith.addf %scan3A_574, %broadcast_in_dim3A_748 : vector<64x1xf32>
      %mul3A_750 = arith.mulf %mul3A_737, %mul3A_737 : vector<64x2048xf32>
      %reduce_sum3A_751 = arith.constant dense<0.000000e+00> : vector<64xf32>
      %reduce_sum3A_752 = vector.multi_reduction <add>, %mul3A_750, %reduce_sum3A_751 [1] : vector<64x2048xf32> to vector<64xf32>
      %broadcast_in_dim3A_753 = vector.shape_cast %reduce_sum3A_752 : vector<64xf32> to vector<64x1xf32>
      %add3A_754 = arith.addf %scan3A_575, %broadcast_in_dim3A_753 : vector<64x1xf32>
      scf.yield %add3A_709, %add3A_702, %add3A_749, %add3A_754 : vector<64x1xf32>, vector<32x64xf32>, vector<64x1xf32>, vector<64x1xf32>
    }
    %scan3A_472 = arith.constant 64 : i32
    %get3A_473 = arith.constant 0 : index
    %get3A_474 = arith.constant 0 : index
    %get3A_475 = vector.load %arg26[%get3A_473, %get3A_474] : memref<1x1xf32, #tpu.memory_space<vmem>>, vector<1x1xf32>
    %add3A_476 = vector.broadcast %get3A_475 : vector<1x1xf32> to vector<64x1xf32>
    %add3A_477 = arith.addf %scan3A_471#0, %add3A_476 : vector<64x1xf32>
    %logistic3A_478 = arith.negf %add3A_477 : vector<64x1xf32>
    %logistic3A_479 = math.exp %logistic3A_478 : vector<64x1xf32>
    %logistic3A_480 = arith.constant 1.000000e+00 : f32
    %logistic3A_481 = vector.broadcast %logistic3A_480 : f32 to vector<64x1xf32>
    %logistic3A_482 = arith.addf %logistic3A_481, %logistic3A_479 : vector<64x1xf32>
    %logistic3A_483 = arith.divf %logistic3A_481, %logistic3A_482 : vector<64x1xf32>
    %swap3A_484 = arith.constant 0 : index
    %swap3A_485 = arith.constant 3 : index
    %swap3A_486 = vector.load %arg27[%swap3A_484, %swap3A_485] : memref<64x5xf32, #tpu.memory_space<vmem>>, vector<64x1xf32>
    tpu.vector_store %arg27[%swap3A_484, %swap3A_485], %logistic3A_483 {strides = array<i32>} : memref<64x5xf32, #tpu.memory_space<vmem>>, vector<64x1xf32>,
    %mul3A_487 = arith.constant 7.812500e-06 : f32
    %mul3A_488 = vector.broadcast %mul3A_487 : f32 to vector<64x1xf32>
    %mul3A_489 = arith.mulf %scan3A_471#2, %mul3A_488 : vector<64x1xf32>
    %mul3A_490 = arith.constant 7.812500e-06 : f32
    %mul3A_491 = vector.broadcast %mul3A_490 : f32 to vector<64x1xf32>
    %mul3A_492 = arith.mulf %scan3A_471#3, %mul3A_491 : vector<64x1xf32>
    %mul3A_493 = arith.mulf %mul3A_489, %mul3A_489 : vector<64x1xf32>
    %sub3A_494 = arith.subf %mul3A_492, %mul3A_493 : vector<64x1xf32>
    %add3A_495 = arith.constant 9.99999974E-6 : f32
    %add3A_496 = vector.broadcast %add3A_495 : f32 to vector<64x1xf32>
    %add3A_497 = arith.addf %sub3A_494, %add3A_496 : vector<64x1xf32>
    %rsqrt3A_498 = math.rsqrt %add3A_497 : vector<64x1xf32>
    %mul3A_499 = arith.mulf %get3A_34, %rsqrt3A_498 : vector<64x1xf32>
    %mul3A_500 = arith.mulf %mul3A_489, %mul3A_499 : vector<64x1xf32>
    %sub3A_501 = arith.subf %get3A_37, %mul3A_500 : vector<64x1xf32>
    %get3A_502 = arith.constant 0 : index
    %get3A_503 = arith.constant 256 : index
    %get3A_504 = vector.load %arg1[%get3A_502, %get3A_503] : memref<32x320xf32, #tpu.memory_space<vmem>>, vector<32x64xf32>
    %concatenate3A_505 = tpu.concatenate %scan3A_471#1, %get3A_504 in 0 : vector<32x64xf32>, vector<32x64xf32> -> vector<64x64xf32>
    %dot_general3A_506 = arith.constant dense<0.000000e+00> : vector<32x64xf32>
    %dot_general3A_507 = tpu.matmul %get3A_40, %concatenate3A_505, %dot_general3A_506 {dimension_numbers = #tpu.dot_dimension_numbers<[1], [0], [0], [1], [0, 0, 1, 1], [], []>, transpose_lhs_hint = false} : vector<32x64xf32>, vector<64x64xf32>, vector<32x64xf32> -> vector<32x64xf32>
    %add3A_508 = vector.broadcast %get3A_46 : vector<32x1xf32> to vector<32x64xf32>
    %add3A_509 = arith.addf %dot_general3A_507, %add3A_508 : vector<32x64xf32>
    %max3A_510 = arith.constant 0.000000e+00 : f32
    %max3A_511 = vector.broadcast %max3A_510 : f32 to vector<32x64xf32>
    %max3A_512 = arith.maximumf %add3A_509, %max3A_511 : vector<32x64xf32>
    %dot_general3A_513 = arith.constant dense<0.000000e+00> : vector<32x64xf32>
    %dot_general3A_514 = tpu.matmul %get3A_43, %max3A_512, %dot_general3A_513 {dimension_numbers = #tpu.dot_dimension_numbers<[1], [0], [0], [1], [0, 0, 1, 1], [], []>, transpose_lhs_hint = false} : vector<32x32xf32>, vector<32x64xf32>, vector<32x64xf32> -> vector<32x64xf32>
    %add3A_515 = vector.broadcast %get3A_49 : vector<32x1xf32> to vector<32x64xf32>
    %add3A_516 = arith.addf %dot_general3A_514, %add3A_515 : vector<32x64xf32>
    %max3A_517 = arith.constant 0.000000e+00 : f32
    %max3A_518 = vector.broadcast %max3A_517 : f32 to vector<32x64xf32>
    %max3A_519 = arith.maximumf %add3A_516, %max3A_518 : vector<32x64xf32>
    %reduce_sum3A_520 = arith.constant dense<0.000000e+00> : vector<32xf32>
    %reduce_sum3A_521 = vector.multi_reduction <add>, %max3A_519, %reduce_sum3A_520 [1] : vector<32x64xf32> to vector<32xf32>
    %broadcast_in_dim3A_522 = vector.shape_cast %reduce_sum3A_521 : vector<32xf32> to vector<32x1xf32>
    %div3A_523 = arith.constant 6.400000e+01 : f32
    %div3A_524 = vector.broadcast %div3A_523 : f32 to vector<32x1xf32>
    %div3A_525 = arith.divf %broadcast_in_dim3A_522, %div3A_524 : vector<32x1xf32>
    %sub3A_526 = vector.broadcast %div3A_525 : vector<32x1xf32> to vector<32x64xf32>
    %sub3A_527 = arith.subf %max3A_519, %sub3A_526 : vector<32x64xf32>
    %sub3A_528 = vector.broadcast %div3A_525 : vector<32x1xf32> to vector<32x64xf32>
    %sub3A_529 = arith.subf %max3A_519, %sub3A_528 : vector<32x64xf32>
    %mul3A_530 = arith.mulf %sub3A_527, %sub3A_529 : vector<32x64xf32>
    %reduce_sum3A_531 = arith.constant dense<0.000000e+00> : vector<32xf32>
    %reduce_sum3A_532 = vector.multi_reduction <add>, %mul3A_530, %reduce_sum3A_531 [1] : vector<32x64xf32> to vector<32xf32>
    %broadcast_in_dim3A_533 = vector.shape_cast %reduce_sum3A_532 : vector<32xf32> to vector<32x1xf32>
    %div3A_534 = arith.constant 6.400000e+01 : f32
    %div3A_535 = vector.broadcast %div3A_534 : f32 to vector<32x1xf32>
    %div3A_536 = arith.divf %broadcast_in_dim3A_533, %div3A_535 : vector<32x1xf32>
    %sub3A_537 = vector.broadcast %div3A_525 : vector<32x1xf32> to vector<32x64xf32>
    %sub3A_538 = arith.subf %max3A_519, %sub3A_537 : vector<32x64xf32>
    %add3A_539 = arith.constant 9.99999974E-6 : f32
    %add3A_540 = vector.broadcast %add3A_539 : f32 to vector<32x1xf32>
    %add3A_541 = arith.addf %div3A_536, %add3A_540 : vector<32x1xf32>
    %rsqrt3A_542 = math.rsqrt %add3A_541 : vector<32x1xf32>
    %mul3A_543 = vector.broadcast %rsqrt3A_542 : vector<32x1xf32> to vector<32x64xf32>
    %mul3A_544 = arith.mulf %sub3A_538, %mul3A_543 : vector<32x64xf32>
    %mul3A_545 = vector.broadcast %get3A_52 : vector<32x1xf32> to vector<32x64xf32>
    %mul3A_546 = arith.mulf %mul3A_544, %mul3A_545 : vector<32x64xf32>
    %add3A_547 = vector.broadcast %get3A_55 : vector<32x1xf32> to vector<32x64xf32>
    %add3A_548 = arith.addf %mul3A_546, %add3A_547 : vector<32x64xf32>
    %broadcast_in_dim3A_549 = arith.constant 0.000000e+00 : f32
    %broadcast_in_dim3A_550 = vector.broadcast %broadcast_in_dim3A_549 : f32 to vector<64x1xf32>
    %scan3A_551 = arith.constant 0 : i32
    %scan3A_552 = arith.constant 64 : i32
    %scan3A_553 = arith.addi %scan3A_551, %scan3A_552 : i32
    %scan3A_554 = arith.constant 1 : i32
    %scan3A_555 = scf.for %scan3A_571 = %scan3A_551 to %scan3A_553 step %scan3A_554 iter_args(%scan3A_572 = %broadcast_in_dim3A_550) -> (vector<64x1xf32>)  : i32 {
      %mul3A_573 = arith.constant 32 : i32
      %mul3A_574 = arith.muli %scan3A_571, %mul3A_573 : i32
      %get3A_575 = arith.index_cast %mul3A_574 : i32 to index
      %get3A_576 = arith.constant 0 : index
      %get3A_577 = vector.load %arg28[%get3A_575, %get3A_576] : memref<2048x2048xf32, #tpu.memory_space<vmem>>, vector<32x2048xf32>
      %mul3A_578 = arith.constant 2 : i32
      %mul3A_579 = arith.muli %scan3A_571, %mul3A_578 : i32
      %mul3A_580 = arith.constant 32 : i32
      %mul3A_581 = arith.muli %mul3A_579, %mul3A_580 : i32
      %get3A_582 = arith.index_cast %mul3A_581 : i32 to index
      %get3A_583 = arith.constant 0 : index
      %get3A_584 = vector.load %arg29[%get3A_582, %get3A_583] : memref<4096x2048xbf16, #tpu.memory_space<vmem>>, vector<64x2048xbf16>
      %convert_element_type3A_585 = arith.extf %get3A_584 : vector<64x2048xbf16> to vector<64x2048xf32>
      %eq3A = vector.broadcast %scan3A_571 : i32 to vector<64x1xi32>
      %eq3A_586 = arith.cmpi eq, %iota3A_69, %eq3A : vector<64x1xi32>
      %convert_element_type3A_587 = arith.extui %eq3A_586 : vector<64x1xi1> to vector<64x1xi32>
      %convert_element_type3A_588 = arith.sitofp %convert_element_type3A_587 : vector<64x1xi32> to vector<64x1xf32>
      %get3A_589 = arith.index_cast %scan3A_571 : i32 to index
      %get3A_590 = arith.constant 4 : index
      %get3A_591 = memref.load %arg0[%get3A_589, %get3A_590] : memref<64x6xi32, #tpu.memory_space<smem>>
      %eq3A_592 = vector.broadcast %get3A_591 : i32 to vector<1x2048xi32>
      %eq3A_593 = arith.cmpi eq, %iota3A, %eq3A_592 : vector<1x2048xi32>
      %convert_element_type3A_594 = arith.extui %eq3A_593 : vector<1x2048xi1> to vector<1x2048xi32>
      %convert_element_type3A_595 = arith.sitofp %convert_element_type3A_594 : vector<1x2048xi32> to vector<1x2048xf32>
      %mul3A_596 = vector.broadcast %mul3A_499 : vector<64x1xf32> to vector<64x2048xf32>
      %mul3A_597 = arith.mulf %convert_element_type3A_585, %mul3A_596 : vector<64x2048xf32>
      %add3A_598 = vector.broadcast %sub3A_501 : vector<64x1xf32> to vector<64x2048xf32>
      %add3A_599 = arith.addf %mul3A_597, %add3A_598 : vector<64x2048xf32>
      %slice3A_600 = vector.extract_strided_slice %add3A_599 {offsets = [0, 0], sizes = [32, 2048], strides = [1, 1]} : vector<64x2048xf32> to vector<32x2048xf32>
      %slice3A_601 = vector.extract_strided_slice %add3A_599 {offsets = [32, 0], sizes = [32, 2048], strides = [1, 1]} : vector<64x2048xf32> to vector<32x2048xf32>
      %get3A_602 = arith.index_cast %scan3A_571 : i32 to index
      %get3A_603 = arith.constant 4 : index
      %get3A_604 = memref.load %arg0[%get3A_602, %get3A_603] : memref<64x6xi32, #tpu.memory_space<smem>>
      %get3A_605 = arith.index_cast %get3A_604 : i32 to index
      %get3A_606 = arith.constant 0 : index
      %get3A_607 = vector.load %arg4[%get3A_605, %get3A_606] : memref<2000x2000xf32, #tpu.memory_space<vmem>>, vector<1x2000xf32>
      %concatenate3A_608 = tpu.concatenate %get3A_607, %broadcast_in_dim3A_72 in 1 : vector<1x2000xf32>, vector<1x48xf32> -> vector<1x2048xf32>
      %add3A_609 = arith.constant 256 : i32
      %add3A_610 = arith.addi %add3A_609, %scan3A_571 : i32
      %get3A_611 = arith.index_cast %add3A_610 : i32 to index
      %get3A_612 = arith.constant 0 : index
      %get3A_613 = vector.load %arg3[%get3A_611, %get3A_612] : memref<512x2048xf32, #tpu.memory_space<vmem>>, vector<1x2048xf32>
      %mul3A_614 = vector.broadcast %concatenate3A_608 : vector<1x2048xf32> to vector<32x2048xf32>
      %mul3A_615 = arith.mulf %mul3A_614, %slice3A_600 : vector<32x2048xf32>
      %mul3A_616 = vector.broadcast %get3A_613 : vector<1x2048xf32> to vector<32x2048xf32>
      %mul3A_617 = arith.mulf %mul3A_616, %slice3A_601 : vector<32x2048xf32>
      %add3A_618 = arith.addf %mul3A_615, %mul3A_617 : vector<32x2048xf32>
      %dot_general3A_619 = arith.constant dense<0.000000e+00> : vector<32x1xf32>
      %dot_general3A_620 = tpu.matmul %add3A_548, %convert_element_type3A_588, %dot_general3A_619 {dimension_numbers = #tpu.dot_dimension_numbers<[1], [0], [0], [1], [0, 0, 1, 1], [], []>, transpose_lhs_hint = false} : vector<32x64xf32>, vector<64x1xf32>, vector<32x1xf32> -> vector<32x1xf32>
      %sub3A_621 = vector.broadcast %dot_general3A_620 : vector<32x1xf32> to vector<32x2048xf32>
      %sub3A_622 = arith.subf %sub3A_621, %add3A_618 : vector<32x2048xf32>
      %mul3A_623 = vector.broadcast %convert_element_type3A_595 : vector<1x2048xf32> to vector<32x2048xf32>
      %mul3A_624 = arith.mulf %mul3A_623, %sub3A_622 : vector<32x2048xf32>
      %add3A_625 = arith.addf %add3A_618, %mul3A_624 : vector<32x2048xf32>
      %dot_general3A_626 = arith.constant dense<0.000000e+00> : vector<64x2048xf32>
      %dot_general3A_627 = tpu.matmul %get3A_16, %add3A_625, %dot_general3A_626 {dimension_numbers = #tpu.dot_dimension_numbers<[1], [0], [0], [1], [0, 0, 1, 1], [], []>, transpose_lhs_hint = false} : vector<64x32xf32>, vector<32x2048xf32>, vector<64x2048xf32> -> vector<64x2048xf32>
      %add3A_628 = vector.broadcast %get3A_28 : vector<64x1xf32> to vector<64x2048xf32>
      %add3A_629 = arith.addf %dot_general3A_627, %add3A_628 : vector<64x2048xf32>
      %slice3A_630 = vector.extract_strided_slice %add3A_629 {offsets = [0, 0], sizes = [32, 2048], strides = [1, 1]} : vector<64x2048xf32> to vector<32x2048xf32>
      %logistic3A_631 = arith.negf %slice3A_630 : vector<32x2048xf32>
      %logistic3A_632 = math.exp %logistic3A_631 : vector<32x2048xf32>
      %logistic3A_633 = arith.constant 1.000000e+00 : f32
      %logistic3A_634 = vector.broadcast %logistic3A_633 : f32 to vector<32x2048xf32>
      %logistic3A_635 = arith.addf %logistic3A_634, %logistic3A_632 : vector<32x2048xf32>
      %logistic3A_636 = arith.divf %logistic3A_634, %logistic3A_635 : vector<32x2048xf32>
      %slice3A_637 = vector.extract_strided_slice %add3A_629 {offsets = [32, 0], sizes = [32, 2048], strides = [1, 1]} : vector<64x2048xf32> to vector<32x2048xf32>
      %tanh3A = math.tanh %slice3A_637 : vector<32x2048xf32>
      %mul3A_638 = vector.broadcast %get3A_61 : vector<1x2048xf32> to vector<32x2048xf32>
      %mul3A_639 = arith.mulf %mul3A_638, %logistic3A_636 : vector<32x2048xf32>
      %mul3A_640 = arith.mulf %mul3A_639, %add3A_625 : vector<32x2048xf32>
      %sub3A_641 = arith.subf %add3A_625, %mul3A_640 : vector<32x2048xf32>
      %mul3A_642 = vector.broadcast %get3A_61 : vector<1x2048xf32> to vector<32x2048xf32>
      %mul3A_643 = arith.mulf %mul3A_642, %tanh3A : vector<32x2048xf32>
      %add3A_644 = arith.addf %sub3A_641, %mul3A_643 : vector<32x2048xf32>
      %concatenate3A_645 = tpu.concatenate %add3A_644, %get3A_577 in 0 : vector<32x2048xf32>, vector<32x2048xf32> -> vector<64x2048xf32>
      %dot_general3A_646 = arith.constant dense<0.000000e+00> : vector<128x2048xf32>
      %dot_general3A_647 = tpu.matmul %get3A_19, %concatenate3A_645, %dot_general3A_646 {dimension_numbers = #tpu.dot_dimension_numbers<[1], [0], [0], [1], [0, 0, 1, 1], [], []>, transpose_lhs_hint = false} : vector<128x64xf32>, vector<64x2048xf32>, vector<128x2048xf32> -> vector<128x2048xf32>
      %add3A_648 = vector.broadcast %get3A_31 : vector<128x1xf32> to vector<128x2048xf32>
      %add3A_649 = arith.addf %dot_general3A_647, %add3A_648 : vector<128x2048xf32>
      %slice3A_650 = vector.extract_strided_slice %add3A_649 {offsets = [0, 0], sizes = [32, 2048], strides = [1, 1]} : vector<128x2048xf32> to vector<32x2048xf32>
      %logistic3A_651 = arith.negf %slice3A_650 : vector<32x2048xf32>
      %logistic3A_652 = math.exp %logistic3A_651 : vector<32x2048xf32>
      %logistic3A_653 = arith.constant 1.000000e+00 : f32
      %logistic3A_654 = vector.broadcast %logistic3A_653 : f32 to vector<32x2048xf32>
      %logistic3A_655 = arith.addf %logistic3A_654, %logistic3A_652 : vector<32x2048xf32>
      %logistic3A_656 = arith.divf %logistic3A_654, %logistic3A_655 : vector<32x2048xf32>
      %slice3A_657 = vector.extract_strided_slice %add3A_649 {offsets = [32, 0], sizes = [32, 2048], strides = [1, 1]} : vector<128x2048xf32> to vector<32x2048xf32>
      %logistic3A_658 = arith.negf %slice3A_657 : vector<32x2048xf32>
      %logistic3A_659 = math.exp %logistic3A_658 : vector<32x2048xf32>
      %logistic3A_660 = arith.constant 1.000000e+00 : f32
      %logistic3A_661 = vector.broadcast %logistic3A_660 : f32 to vector<32x2048xf32>
      %logistic3A_662 = arith.addf %logistic3A_661, %logistic3A_659 : vector<32x2048xf32>
      %logistic3A_663 = arith.divf %logistic3A_661, %logistic3A_662 : vector<32x2048xf32>
      %slice3A_664 = vector.extract_strided_slice %add3A_649 {offsets = [64, 0], sizes = [32, 2048], strides = [1, 1]} : vector<128x2048xf32> to vector<32x2048xf32>
      %slice3A_665 = vector.extract_strided_slice %add3A_649 {offsets = [96, 0], sizes = [32, 2048], strides = [1, 1]} : vector<128x2048xf32> to vector<32x2048xf32>
      %mul3A_666 = arith.mulf %logistic3A_656, %slice3A_665 : vector<32x2048xf32>
      %add3A_667 = arith.addf %slice3A_664, %mul3A_666 : vector<32x2048xf32>
      %tanh3A_668 = math.tanh %add3A_667 : vector<32x2048xf32>
      %sub3A_669 = arith.constant 1.000000e+00 : f32
      %sub3A_670 = vector.broadcast %sub3A_669 : f32 to vector<32x2048xf32>
      %sub3A_671 = arith.subf %sub3A_670, %logistic3A_663 : vector<32x2048xf32>
      %mul3A_672 = arith.mulf %sub3A_671, %tanh3A_668 : vector<32x2048xf32>
      %mul3A_673 = arith.mulf %logistic3A_663, %get3A_577 : vector<32x2048xf32>
      %add3A_674 = arith.addf %mul3A_672, %mul3A_673 : vector<32x2048xf32>
      %mul3A_675 = arith.constant 32 : i32
      %mul3A_676 = arith.muli %scan3A_571, %mul3A_675 : i32
      %swap3A_677 = arith.index_cast %mul3A_676 : i32 to index
      %swap3A_678 = arith.constant 0 : index
      %swap3A_679 = vector.load %arg28[%swap3A_677, %swap3A_678] : memref<2048x2048xf32, #tpu.memory_space<vmem>>, vector<32x2048xf32>
      tpu.vector_store %arg28[%swap3A_677, %swap3A_678], %add3A_674 {strides = array<i32>} : memref<2048x2048xf32, #tpu.memory_space<vmem>>, vector<32x2048xf32>,
      %get3A_680 = arith.index_cast %scan3A_571 : i32 to index
      %get3A_681 = arith.constant 5 : index
      %get3A_682 = memref.load %arg0[%get3A_680, %get3A_681] : memref<64x6xi32, #tpu.memory_space<smem>>
      %eq3A_683 = vector.broadcast %get3A_682 : i32 to vector<1x2048xi32>
      %eq3A_684 = arith.cmpi eq, %iota3A, %eq3A_683 : vector<1x2048xi32>
      %convert_element_type3A_685 = arith.extui %eq3A_684 : vector<1x2048xi1> to vector<1x2048xi32>
      %convert_element_type3A_686 = arith.sitofp %convert_element_type3A_685 : vector<1x2048xi32> to vector<1x2048xf32>
      %mul3A_687 = vector.broadcast %convert_element_type3A_686 : vector<1x2048xf32> to vector<32x2048xf32>
      %mul3A_688 = arith.mulf %add3A_674, %mul3A_687 : vector<32x2048xf32>
      %reduce_sum3A_689 = arith.constant dense<0.000000e+00> : vector<32xf32>
      %reduce_sum3A_690 = vector.multi_reduction <add>, %mul3A_688, %reduce_sum3A_689 [1] : vector<32x2048xf32> to vector<32xf32>
      %broadcast_in_dim3A_691 = vector.shape_cast %reduce_sum3A_690 : vector<32xf32> to vector<32x1xf32>
      %mul3A_692 = arith.mulf %broadcast_in_dim3A_691, %get3A_58 : vector<32x1xf32>
      %reduce_sum3A_693 = arith.constant dense<0.000000e+00> : vector<1xf32>
      %reduce_sum3A_694 = vector.multi_reduction <add>, %mul3A_692, %reduce_sum3A_693 [0] : vector<32x1xf32> to vector<1xf32>
      %broadcast_in_dim3A_695 = vector.shape_cast %reduce_sum3A_694 : vector<1xf32> to vector<1x1xf32>
      %mul3A_696 = vector.broadcast %broadcast_in_dim3A_695 : vector<1x1xf32> to vector<64x1xf32>
      %mul3A_697 = arith.mulf %mul3A_696, %convert_element_type3A_588 : vector<64x1xf32>
      %add3A_698 = arith.addf %scan3A_572, %mul3A_697 : vector<64x1xf32>
      scf.yield %add3A_698 : vector<64x1xf32>
    }
    %scan3A_556 = arith.constant 64 : i32
    %get3A_557 = arith.constant 0 : index
    %get3A_558 = arith.constant 0 : index
    %get3A_559 = vector.load %arg26[%get3A_557, %get3A_558] : memref<1x1xf32, #tpu.memory_space<vmem>>, vector<1x1xf32>
    %add3A_560 = vector.broadcast %get3A_559 : vector<1x1xf32> to vector<64x1xf32>
    %add3A_561 = arith.addf %scan3A_555, %add3A_560 : vector<64x1xf32>
    %logistic3A_562 = arith.negf %add3A_561 : vector<64x1xf32>
    %logistic3A_563 = math.exp %logistic3A_562 : vector<64x1xf32>
    %logistic3A_564 = arith.constant 1.000000e+00 : f32
    %logistic3A_565 = vector.broadcast %logistic3A_564 : f32 to vector<64x1xf32>
    %logistic3A_566 = arith.addf %logistic3A_565, %logistic3A_563 : vector<64x1xf32>
    %logistic3A_567 = arith.divf %logistic3A_565, %logistic3A_566 : vector<64x1xf32>
    %swap3A_568 = arith.constant 0 : index
    %swap3A_569 = arith.constant 4 : index
    %swap3A_570 = vector.load %arg27[%swap3A_568, %swap3A_569] : memref<64x5xf32, #tpu.memory_space<vmem>>, vector<64x1xf32>
    tpu.vector_store %arg27[%swap3A_568, %swap3A_569], %logistic3A_567 {strides = array<i32>} : memref<64x5xf32, #tpu.memory_space<vmem>>, vector<64x1xf32>,
    return
  }
}

</mosaic_0001>

<sc_bundles>
// kernel: kernel.4.cloned.1.call-start
scs
__scs_entry_jumppad:
0x0: {  	(pc) =	sbr.rel $0x88, $3  }
0x1: {  	(tag) =	ssettag $0x0;
	lr =	simm.s32 $0x1  }
0x2: {  	[smem:$0x3F7F] =	sst lr;
	_ =	strace $0xD0000000  }
0x3: {  	_ = 	snop  }
0x4: {  	_ = 	snop  }
0x5: {  	_ = 	snop  }
0x6: {  	_ = 	snop  }
0x7: {  	_ = 	snop  }
__scs_overlays_trampoline_lowered:
0x8: {  	[smem:$0x3F8E] =	sst s0  }
0x9: {  	[smem:$0x3F8F] =	sst s1  }
0xa: {  	[smem:$0x3F90] =	sst s2  }
0xb: {  	[smem:$0x3F91] =	sst s3  }
0xc: {  	[smem:$0x3F92] =	sst s4  }
0xd: {  	[smem:$0x3F93] =	sst s5  }
0xe: {  	[smem:$0x3F94] =	sst s6  }
0xf: {  	[smem:$0x3F95] =	sst s7  }
0x10: {  	[smem:$0x3F96] =	sst s8  }
0x11: {  	[smem:$0x3F97] =	sst s9;
	s0 =	simm.s32 @!p0 $0x0  }
0x12: {  	s1 =	sld [smem:$0x3F7D];
	s0 =	simm.s32 @p0 $0x1  }
0x13: {  	[smem:$0x3F98] =	sst s0;
	s0 =	simm.s32 @!p1 $0x0  }
0x14: {  	s2 =	sld [smem:$0x3F7C];
	s0 =	simm.s32 @p1 $0x1  }
0x15: {  	[smem:$0x3F99] =	sst s0;
	s0 =	simm.s32 @!p2 $0x0  }
0x16: {  	s3 =	sld [smem:$0x3FDB];
	s0 =	simm.s32 @p2 $0x1  }
0x17: {  	s4 =	simm.s32 $0x1BF5;
	[smem:$0x3F9B] =	sst s0  }
0x18: {  	s0 =	sld [smem:$0x3F7E];
	_ =	swait.ge [sflag:s4], $0x0  }
0x19: {  	s7 =	sld [smem:$0x3F7F]  }
0x1a: {  	s8 =	sadd.s32 $0xFFFFE003, lr  }
0x1b: {  	s9 =	sadd.s32 $0xFFFFFEF7, lr;
	s5 =	simm.s32 $0xFFFFFFFF;
	p2 =	slt.u32 s8, $0xFFFFF086  }
0x1c: {  	p1 =	slt.u32 s9, $0xF7A;
	s5 =	simm.s32 @!p2 $0x0  }
0x1d: {  	s5 =	simm.s32 @p1 $0x1;
	p0 =	seq.s32 s7, s2  }
0x1e: {  	s7 =	smul.u32 @!p0 $0xF7A, s2;
	p2 =	seq.s32 @!p0 s5, $0x0  }
0x1f: {  	s9 =	smul.u32 $0xF7A, s1;
	s8 =	simm.s32 @!p0 $0x1BF5;
	p2 =	por !p2, p0  }
0x20: {  	[sflag:s8] =	ssyncset.s32 @!p0 $0xFFFFF086;
	s6 =	sadd.s32 @!p0 s3, s7;
	s7 =	simm.s32 @!p0 $0x108  }
0x21: {  	s3 =	sadd.s32 s3, s9;
	s6 =	sadd.s32 @!p0 $0x88, s6;
	s7 =	simm.s32 @p2 $0x1082  }
0x22: {  	[simem:s7], [sflag:s8] =	dma.local @!p0 [hbm:s6], $0xF7A  }
0x23: {  	s9 =	sor.u32 $0xD0000000, s2;
	s6 =	simm.s32 $0x108;
	_ =	swait.ge @!p0 [sflag:s8], $0x0  }
0x24: {  	s3 =	sadd.s32 $0x88, s3;
	s6 =	simm.s32 @!p1 $0x1082;
	[sflag:s4] =	ssyncset.s32 $0xFFFFF086  }
0x25: {  	[simem:s6], [sflag:s4] =	dma.local [hbm:s3], $0xF7A  }
0x26: {  	[smem:$0x3F7F] =	sst s1;
	(tag) =	ssettag s2;
	_ =	strace s9  }
0x27: {  	s1 =	sld [smem:$0x3F8F]  }
0x28: {  	s2 =	sld [smem:$0x3F90]  }
0x29: {  	s4 =	sld [smem:$0x3F92]  }
0x2a: {  	p0 =	seq.s32 s5, $0x0;
	s5 =	sld [smem:$0x3F93]  }
0x2b: {  	s6 =	sld [smem:$0x3F94]  }
0x2c: {  	s7 =	sld [smem:$0x3F95]  }
0x2d: {  	s3 =	simm.s32 $0x108;
	s8 =	sld [smem:$0x3F96]  }
0x2e: {  	s3 =	simm.s32 @!p0 $0x1082;
	s9 =	sld [smem:$0x3F97]  }
0x2f: {  	lr =	sadd.s32 s0, s3;
	s0 =	sld [smem:$0x3F8E]  }
0x30: {  	s3 =	sld [smem:$0x3F91]  }
0x31: {  	[smem:$0x3F9A] =	sst s10  }
0x32: {  	s10 =	sld [smem:$0x3F98];
	_ =	sdelay $0x3  }
0x33: {  	p0 =	seq.s32 s10, $0x1;
	s10 =	sld [smem:$0x3F9A];
	_ =	sdelay $0x3  }
0x34: {  	[smem:$0x3F9A] =	sst s10  }
0x35: {  	s10 =	sld [smem:$0x3F99];
	_ =	sdelay $0x3  }
0x36: {  	p1 =	seq.s32 s10, $0x1;
	s10 =	sld [smem:$0x3F9A];
	_ =	sdelay $0x3  }
0x37: {  	[smem:$0x3F9A] =	sst s10  }
0x38: {  	s10 =	sld [smem:$0x3F9B]  }
0x39: {  	_ = 	snop;
	(pc) =	sbr.ind lr, $3  }
0x3a: {  	_ = 	snop  }
0x3b: {  	_ = 	snop  }
0x3c: {  	p2 =	seq.s32 s10, $0x1;
	s10 =	sld [smem:$0x3F9A]  }
0x3d: {  	_ =	shalt  }
0x3e: {  	_ =	shalt  }
0x3f: {  	_ =	shalt  }
0x40: {  	_ =	shalt  }
0x41: {  	_ =	shalt  }
0x42: {  	_ =	shalt  }
0x43: {  	_ =	shalt  }
0x44: {  	_ =	shalt  }
0x45: {  	_ =	shalt  }
0x46: {  	_ =	shalt  }
0x47: {  	_ =	shalt  }
0x48: {  	_ =	shalt  }
0x49: {  	_ =	shalt  }
0x4a: {  	_ =	shalt  }
0x4b: {  	_ =	shalt  }
0x4c: {  	_ =	shalt  }
0x4d: {  	_ =	shalt  }
0x4e: {  	_ =	shalt  }
0x4f: {  	_ =	shalt  }
0x50: {  	_ =	shalt  }
0x51: {  	_ =	shalt  }
0x52: {  	_ =	shalt  }
0x53: {  	_ =	shalt  }
0x54: {  	_ =	shalt  }
0x55: {  	_ =	shalt  }
0x56: {  	_ =	shalt  }
0x57: {  	_ =	shalt  }
0x58: {  	_ =	shalt  }
0x59: {  	_ =	shalt  }
0x5a: {  	_ =	shalt  }
0x5b: {  	_ =	shalt  }
0x5c: {  	_ =	shalt  }
0x5d: {  	_ =	shalt  }
0x5e: {  	_ =	shalt  }
0x5f: {  	_ =	shalt  }
0x60: {  	_ =	shalt  }
0x61: {  	_ =	shalt  }
0x62: {  	_ =	shalt  }
0x63: {  	_ =	shalt  }
0x64: {  	_ =	shalt  }
0x65: {  	_ =	shalt  }
0x66: {  	_ =	shalt  }
0x67: {  	_ =	shalt  }
0x68: {  	_ =	shalt  }
0x69: {  	_ =	shalt  }
0x6a: {  	_ =	shalt  }
0x6b: {  	_ =	shalt  }
0x6c: {  	_ =	shalt  }
0x6d: {  	_ =	shalt  }
0x6e: {  	_ =	shalt  }
0x6f: {  	_ =	shalt  }
0x70: {  	_ =	shalt  }
0x71: {  	_ =	shalt  }
0x72: {  	_ =	shalt  }
0x73: {  	_ =	shalt  }
0x74: {  	_ =	shalt  }
0x75: {  	_ =	shalt  }
0x76: {  	_ =	shalt  }
0x77: {  	_ =	shalt  }
0x78: {  	_ =	shalt  }
0x79: {  	_ =	shalt  }
0x7a: {  	_ =	shalt  }
0x7b: {  	_ =	shalt  }
0x7c: {  	_ =	shalt  }
0x7d: {  	_ =	shalt  }
0x7e: {  	_ =	shalt  }
0x7f: {  	_ =	shalt  }
0x80: {  	_ =	shalt  }
0x81: {  	_ =	shalt  }
0x82: {  	_ =	shalt  }
0x83: {  	_ =	shalt  }
0x84: {  	_ =	shalt  }
0x85: {  	_ =	shalt  }
0x86: {  	_ =	shalt  }
0x87: {  	_ =	shalt  }
.Lfunc_end0:
.L_simem_size_0:
called_computation_lowered:
.L_overlay_start_0:
0x88: {  	s2 =	sld [smem:$0x3FD9]  }
0x89: {  	s3 =	sld [smem:$0x3FFE];
	_ =	sdelay $0x1  }
0x8a: {  	s1 =	srdreg.scid  }
0x8b: {  	s0 =	sand.u32 $0x1, s1  }
0x8c: {  	s17 =	sshll.u32 s0, $0xA;
	s2 =	sadd.s32 s3, s2  }
0x8d: {  	s2 =	sadd.s32 s2, s17  }
0x8e: {  	[smem:$0x3FA6] =	sst s2  }
0x8f: {  	_ = 	snop  }
0x90: {  	s2 =	sld [smem:$0x3FD0];
	(tm) =	ssettm $0x1  }
0x91: {  	s18 =	sld [smem:$0x3FFB];
	_ =	sdelay $0x3  }
0x92: {  	_ =	strace s18  }
0x93: {  	s3 =	sld [smem:$0x3FFC];
	_ =	sdelay $0x3  }
0x94: {  	_ =	strace s3  }
0x95: {  	s3 =	sld [smem:$0x3FFD];
	_ =	sdelay $0x3  }
0x96: {  	_ =	strace s3  }
0x97: {  	_ =	strace $0x8FFFFFFF  }
0x98: {  	s19 =	sld [smem:$0x3FDB];
	_ =	sdelay $0x1  }
0x99: {  	s4 =	simm.s32 $_scs_section_size  }
0x9a: {  	s5 =	simm.s32 $_size__tile_overlayer_lowered;
	s6 =	simm.s32 $_tile_overlayer_lowered  }
0x9b: {  	s22 =	simm.s32 $0x1BFF;
	s21 =	sshll.u32 s6, $0x1;
	s3 =	sadd.s32 s4, s19  }
0x9c: {  	s7 =	simm.s32 $0x0;
	s20 =	sshll.u32 s5, $0x1;
	s5 =	sadd.s32 s21, s3  }
0x9d: {  	[timem:s7], [sflag:s22] =	dma.local [hbm:s5], s20  }
0x9e: {  	_ =	swait.ge [sflag:s22], s20  }
0x9f: {  	s4 =	ssub.s32 $0x0, s20;
	[sflag:s22] =	ssyncset.done $0x0  }
0xa0: {  	[sflag:s22] =	ssyncadd.s32 s4;
	_ =	sdelay $0x1  }
0xa1: {  	s23 =	simm.s32 $0x1B8B  }
0xa2: {  	_ =	swait.ge [sflag:s23], $0x1  }
0xa3: {  	[sflag:s23] =	ssyncset.done $0x0  }
0xa4: {  	s25 =	simm.s32 $0x1B8E;
	s24 =	sld [smem:$0x3FFE];
	[sflag:s23] =	ssyncadd.s32 $0xFFFFFFFF  }
0xa5: {  	s26 =	simm.s32 $execute0_lowered;
	[smem:$0x3FD2] =	sst s25  }
0xa6: {  	s5 =	sshll.u32 s26, $0x1;
	_ =	strace $0x80000046;
	[dreg:$0x1] =	wrdreg $0xFFFFFFFF  }
0xa7: {  	s28 =	simm.s32 $_size_execute0_lowered;
	s3 =	sadd.s32 s3, s5;
	[dreg:$0x0] =	wrdreg $0x0  }
0xa8: {  	s5 =	sshll.u32 s28, $0x1;
	[dreg:$0x2] =	wrdreg s3  }
0xa9: {  	[dreg:$0x3] =	wrdreg s5  }
0xaa: {  	[dreg:$0x4] =	wrdreg $0xC0  }
0xab: {  	_ =	task [dreg:s7], $0x5FFFF  }
0xac: {  	[dreg:$0x1] =	wrdreg $0xFFFFFFFF  }
0xad: {  	[dreg:$0x0] =	wrdreg $0x60  }
0xae: {  	[dreg:$0x2] =	wrdreg s24  }
0xaf: {  	[dreg:$0x3] =	wrdreg s2  }
0xb0: {  	[dreg:$0x4] =	wrdreg $0x9  }
0xb1: {  	_ =	task.clear_ibuf [dreg:s7], $0x5FFFF;
	_ =	strace $0x90000046  }
0xb2: {  	s29 =	simm.s32 $0x9;
	_ =	strace $0x80000048  }
0xb3: {  	_ =	swait.ge [sflag:s29], $0x1  }
0xb4: {  	[sflag:s29] =	ssyncadd.s32 $0xFFFFFFFF  }
0xb5: {  	_ =	strace $0x90000048  }
0xb6: {  	_ =	sfence  }
0xb7: {  	s30 =	sld [smem:$0x0];
	_ =	sdelay $0x2  }
0xb8: {  	s31 =	sshll.u32 s1, $0xD;
	s1 =	sshrl.u32 s1, $0x2  }
0xb9: {  	s3 =	sand.u32 $0x4000, s31;
	s1 =	sadd.s32 s1, s30  }
0xba: {  	s0 =	sor.u32 s3, s0;
	s1 =	sshll.u32 s1, $0x11  }
0xbb: {  	s0 =	sor.u32 s1, s0  }
0xbc: {  	s0 =	sadd.s32 $0x8F2B, s0  }
0xbd: {  	[sflag:s0] =	ssyncadd.remote.s32 $0x1  }
0xbe: {  	_ =	sfence.sel $0xFFFF  }
0xbf: {  	[dreg:$0x0] =	wrdreg $0xFFFFFFFF;
	(pc) =	sbr.abs _section_cstart, $3  }
0xc0: {  	[dreg:$0x1] =	wrdreg $0xFFFFFFFF  }
0xc1: {  	_ =	task.clear_ibuf [dreg:s7], $0x2FFFF;
	_ =	strace $0x9FFFFFFF  }
0xc2: {  	(tm) =	ssettm $0x7FFFFFFF  }
0xc3: {  	_ =	shalt  }
tec
execute0_lowered:
.L_overlay_start_1:
0x0: {  	(tag) =	ssettag $0x1  }
0x1: {  	s0 =	rddreg [dreg:$0x0]  }
0x2: {  	s1 =	rddreg [dreg:$0x1];
	s2 =	simm.s32 $0x0  }
0x3: {  	s3 =	srdreg.scid;
	s4 =	stileid.u32;
	s26 =	simm.s32 $0x900  }
0x4: {  	s12 =	simm.s32 $0x100;
	s28 =	simm.s32 $0x1900;
	s29 =	simm.s32 $0x2100  }
0x5: {  	s25 =	simm.s32 $0x2900;
	s17 =	simm.s32 $0x3100;
	s18 =	simm.s32 $0x3900  }
0x6: {  	s19 =	simm.s32 $0x4100;
	s20 =	simm.s32 $0x4900;
	s21 =	simm.s32 $0x5100  }
0x7: {  	s22 =	simm.s32 $0x5900;
	s23 =	simm.s32 $0x6100;
	s24 =	simm.s32 $0x6900  }
0x8: {  	p0 =	por $0x0, $0x0;
	s30 =	simm.s32 $0x7100;
	s31 =	simm.s32 $0x7900  }
0x9: {  	[smem:$0x7FF] =	sst s2;
	s3 =	sand.u32 $0x1, s3;
	s4 =	sshll.u32 s4, $0x1  }
0xa: {  	s5 =	sadd.s32 $0x82400, s0;
	_ =	strace $0x80000047;
	s6 =	sor.u32 s3, s4  }
0xb: {  	s4 =	sadd.s32 $0x5400, s0;
	[dreg:$0x3] =	wrdreg s5;
	s3 =	ssub.s32 $0x2, s3  }
0xc: {  	[dreg:$0x8] =	wrdreg s26;
	s26 =	simm.s32 $0x1100;
	s13 =	sshll.u32 s6, $0x1  }
0xd: {  	s7 =	sshll.u32 s6, $0xC;
	s8 =	smul.u32 $0x180, s6;
	s14 =	sshrl.u32 s3, $0x1  }
0xe: {  	s11 =	smul.u32 $0x3, s6;
	s6 =	sadd.s32 $0x5600, s0;
	s5 =	sadd.s32 s13, s0  }
0xf: {  	s9 =	sadd.s32 s7, s0;
	s3 =	ssub.s32 s3, s14;
	s7 =	sadd.s32 $0x5700, s0  }
0x10: {  	s13 =	simm.s32 $0x1;
	s14 =	simm.s32 $0x80;
	s10 =	sadd.s32 s8, s0  }
0x11: {  	s5 =	sadd.s32 $0x99C00, s5;
	s9 =	sadd.s32 $0x9CE00, s9;
	s16 =	smax.u32 s3, $0x1  }
0x12: {  	s8 =	sadd.s32 $0x5800, s0;
	s1 =	sadd.s32 s1, s11;
	p1 =	sne.s32 s16, $0x1  }
.Ltmp0:
0x13: {  	s11 =	sadd.s32 $0x5B00, s0;
	[dreg:$0x4] =	wrdreg s5;
	(pc) =	sbr.rel @!p1 .LBB2_3-.Ltmp0, $4  }
0x14: {  	s3 =	simm.s32 $0x2;
	s5 =	sadd.s32 $0x5500, s0;
	[dreg:$0x5] =	wrdreg s9  }
0x15: {  	v1 =	vlaneseq.u32;
	s9 =	sadd.s32 $0x5900, s0;
	[dreg:$0x6] =	wrdreg s1;
	s15 =	sadd.s32 $0x99E00, s10  }
0x16: {  	vm0 =	vmmov $0xffff;
	v0 =	vshrl.u32 v1, $0x3;
	s10 =	sadd.s32 $0x5A00, s0;
	s0 =	sadd.s32 $0xFFFFFFFF, s16;
	[dreg:$0x7] =	wrdreg s15  }
0x17: {  	v2 =	vand.u32 $0x7, v1;
	v1 =	vor.u32 $0x8, v1;
	v0 =	vmul.u32 $0x8, v0;
	s16 =	simm.s32 $0x18;
	s15 =	simm.s32 $0x8100;
	s1 =	rddreg [dreg:$0x4]  }
0x18: {  	[tilespmem:s2], [sflag:$0x2] =	stream.linear.gather [hbm4b:s1+s2], $0x10, $0x38;
	[tilespmem:$0x8D00] =	vst v63  }
0x19: {  	_ =	swait.ge [sflag:s3], $0x10  }
0x1a: {  	[sflag:s3] =	ssyncset.done $0x0  }
0x1b: {  	[sflag:s3] =	ssyncadd.s32 $0xFFFFFFF0  }
0x1c: {  	v3 =	vld [tilespmem:$0x0];
	_ =	sdelay $0x4  }
0x1d: {  	v4 =	vshll.u32 v3, $0x4  }
0x1e: {  	v3 =	vand.u32 $0x7, v3;
	v4 =	vand.u32 $0xFFFFFF80, v4  }
0x1f: {  	v3 =	vor.u32 v3, v4  }
0x20: {  	v4 =	vperm.xlane v3, v2;
	_ =	sdelay $0x1  }
0x21: {  	v4 =	vadd.s32 v0, v4;
	_ =	sdelay $0x4  }
0x22: {  	[tilespmem:s12], [sflag:$0x1] =	stream.indirect_vreg.gather [hbm4b:s4+s2], $0x80, v4, vm0, $0xb8;
	[tilespmem:$0x8D00] =	vst v63  }
0x23: {  	s1 =	rddreg [dreg:$0x8]  }
0x24: {  	[tilespmem:s1], [sflag:$0x1] =	stream.indirect_vreg.gather [hbm4b:s5+s2], $0x80, v4, vm0, $0xb8;
	[tilespmem:$0x8D00] =	vst v63  }
0x25: {  	_ = 	snop  }
0x26: {  	[tilespmem:s26], [sflag:$0x1] =	stream.indirect_vreg.gather [hbm4b:s6+s2], $0x80, v4, vm0, $0xb8;
	[tilespmem:$0x8D00] =	vst v63  }
0x27: {  	_ = 	snop  }
0x28: {  	[tilespmem:s28], [sflag:$0x1] =	stream.indirect_vreg.gather [hbm4b:s7+s2], $0x80, v4, vm0, $0xb8;
	[tilespmem:$0x8D00] =	vst v63  }
0x29: {  	_ = 	snop  }
0x2a: {  	[tilespmem:s29], [sflag:$0x1] =	stream.indirect_vreg.gather [hbm4b:s8+s2], $0x80, v4, vm0, $0xb8;
	[tilespmem:$0x8D00] =	vst v63  }
0x2b: {  	v3 =	vperm.xlane v3, v1  }
0x2c: {  	[tilespmem:s25], [sflag:$0x1] =	stream.indirect_vreg.gather [hbm4b:s9+s2], $0x80, v4, vm0, $0xb8;
	[tilespmem:$0x8D00] =	vst v63  }
0x2d: {  	v3 =	vadd.s32 v0, v3  }
0x2e: {  	[tilespmem:s17], [sflag:$0x1] =	stream.indirect_vreg.gather [hbm4b:s10+s2], $0x80, v4, vm0, $0xb8;
	[tilespmem:$0x8D00] =	vst v63  }
0x2f: {  	_ = 	snop  }
0x30: {  	[tilespmem:s18], [sflag:$0x1] =	stream.indirect_vreg.gather [hbm4b:s11+s2], $0x80, v4, vm0, $0xb8;
	[tilespmem:$0x8D00] =	vst v63  }
0x31: {  	_ = 	snop  }
0x32: {  	[tilespmem:s19], [sflag:$0x1] =	stream.indirect_vreg.gather [hbm4b:s4+s2], $0x80, v3, vm0, $0xb8;
	[tilespmem:$0x8D00] =	vst v63  }
0x33: {  	_ = 	snop  }
0x34: {  	[tilespmem:s20], [sflag:$0x1] =	stream.indirect_vreg.gather [hbm4b:s5+s2], $0x80, v3, vm0, $0xb8;
	[tilespmem:$0x8D00] =	vst v63  }
0x35: {  	_ = 	snop  }
0x36: {  	[tilespmem:s21], [sflag:$0x1] =	stream.indirect_vreg.gather [hbm4b:s6+s2], $0x80, v3, vm0, $0xb8;
	[tilespmem:$0x8D00] =	vst v63  }
0x37: {  	_ = 	snop  }
0x38: {  	[tilespmem:s22], [sflag:$0x1] =	stream.indirect_vreg.gather [hbm4b:s7+s2], $0x80, v3, vm0, $0xb8;
	[tilespmem:$0x8D00] =	vst v63  }
0x39: {  	_ = 	snop  }
0x3a: {  	[tilespmem:s23], [sflag:$0x1] =	stream.indirect_vreg.gather [hbm4b:s8+s2], $0x80, v3, vm0, $0xb8;
	[tilespmem:$0x8D00] =	vst v63  }
0x3b: {  	_ = 	snop  }
0x3c: {  	[tilespmem:s24], [sflag:$0x1] =	stream.indirect_vreg.gather [hbm4b:s9+s2], $0x80, v3, vm0, $0xb8;
	[tilespmem:$0x8D00] =	vst v63  }
0x3d: {  	_ = 	snop  }
0x3e: {  	[tilespmem:s30], [sflag:$0x1] =	stream.indirect_vreg.gather [hbm4b:s10+s2], $0x80, v3, vm0, $0xb8;
	[tilespmem:$0x8D00] =	vst v63  }
0x3f: {  	_ = 	snop  }
0x40: {  	[tilespmem:s31], [sflag:$0x1] =	stream.indirect_vreg.gather [hbm4b:s11+s2], $0x80, v3, vm0, $0xb8;
	[tilespmem:$0x8D00] =	vst v63  }
0x41: {  	_ =	swait.ge [sflag:s13], $0x8000  }
0x42: {  	[sflag:s13] =	ssyncset.done $0x0  }
0x43: {  	s1 =	rddreg [dreg:$0x5];
	[sflag:s13] =	ssyncadd.s32 $0xFFFF8000  }
0x44: {  	[hbm4b:s1+s2] =	stream.linear.scatter [tilespmem:s12], [sflag:$0x2], $0x8000, $0x38;
	[tilespmem:$0x8D00] =	vst v63  }
0x45: {  	_ =	swait.ge [sflag:s3], $0x8000  }
0x46: {  	[sflag:s3] =	ssyncset.done $0x0  }
0x47: {  	s1 =	rddreg [dreg:$0x6];
	[sflag:s3] =	ssyncadd.s32 $0xFFFF8000  }
0x48: {  	[tilespmem:s14], [sflag:$0x2] =	stream.linear.gather [hbm4b:s1+s2], $0x18, $0x38;
	[tilespmem:$0x8D00] =	vst v63  }
0x49: {  	_ =	swait.ge [sflag:s3], $0x18  }
0x4a: {  	[sflag:s3] =	ssyncset.done $0x0  }
0x4b: {  	s1 =	rddreg [dreg:$0x3];
	[sflag:s3] =	ssyncadd.s32 $0xFFFFFFE8  }
0x4c: {  	[tilespmem:s15], [sflag:$0x1] =	stream.indirect.gather [hbm4b:s1+s16], $0x80, s14, s16, $0xb8;
	[tilespmem:$0x8D00] =	vst v63  }
0x4d: {  	p1 =	sne.s32 s0, $0x1;
	_ =	swait.ge [sflag:s13], $0xC00  }
.Ltmp1:
0x4e: {  	[sflag:s13] =	ssyncset.done $0x0;
	(pc) =	sbr.rel @!p1 .LBB2_3-.Ltmp1, $4  }
0x4f: {  	s1 =	rddreg [dreg:$0x7];
	[sflag:s13] =	ssyncadd.s32 $0xFFFFF400  }
0x50: {  	[hbm4b:s1+s2] =	stream.linear.scatter [tilespmem:s15], [sflag:$0x2], $0xC00, $0x38;
	[tilespmem:$0x8D00] =	vst v63  }
0x51: {  	s0 =	sadd.s32 $0xFFFFFFFF, s0;
	_ =	swait.ge [sflag:s3], $0xC00  }
0x52: {  	p0 =	por $0x1, $0x1;
	s1 =	rddreg [dreg:$0x4];
	[sflag:s3] =	ssyncset.done $0x0  }
.LBB2_2:
0x53: {  	[sflag:s3] =	ssyncadd.s32 $0xFFFFF400  }
0x54: {  	[tilespmem:s2], [sflag:$0x2] =	stream.linear.gather [hbm4b:s1+s2], $0x10, $0x38;
	[tilespmem:$0x8D00] =	vst v63  }
0x55: {  	_ =	swait.ge [sflag:s3], $0x10  }
0x56: {  	[sflag:s3] =	ssyncset.done $0x0  }
0x57: {  	[sflag:s3] =	ssyncadd.s32 $0xFFFFFFF0  }
0x58: {  	v3 =	vld [tilespmem:$0x0];
	_ =	sdelay $0x4  }
0x59: {  	v4 =	vshll.u32 v3, $0x4  }
0x5a: {  	v3 =	vand.u32 $0x7, v3;
	v4 =	vand.u32 $0xFFFFFF80, v4  }
0x5b: {  	v3 =	vor.u32 v3, v4  }
0x5c: {  	v4 =	vperm.xlane v3, v2;
	_ =	sdelay $0x1  }
0x5d: {  	v4 =	vadd.s32 v0, v4;
	_ =	sdelay $0x4  }
0x5e: {  	[tilespmem:s12], [sflag:$0x1] =	stream.indirect_vreg.gather [hbm4b:s4+s2], $0x80, v4, vm0, $0xb8;
	[tilespmem:$0x8D00] =	vst v63  }
0x5f: {  	s1 =	rddreg [dreg:$0x8]  }
0x60: {  	[tilespmem:s1], [sflag:$0x1] =	stream.indirect_vreg.gather [hbm4b:s5+s2], $0x80, v4, vm0, $0xb8;
	[tilespmem:$0x8D00] =	vst v63  }
0x61: {  	_ = 	snop  }
0x62: {  	[tilespmem:s26], [sflag:$0x1] =	stream.indirect_vreg.gather [hbm4b:s6+s2], $0x80, v4, vm0, $0xb8;
	[tilespmem:$0x8D00] =	vst v63  }
0x63: {  	_ = 	snop  }
0x64: {  	[tilespmem:s28], [sflag:$0x1] =	stream.indirect_vreg.gather [hbm4b:s7+s2], $0x80, v4, vm0, $0xb8;
	[tilespmem:$0x8D00] =	vst v63  }
0x65: {  	_ = 	snop  }
0x66: {  	[tilespmem:s29], [sflag:$0x1] =	stream.indirect_vreg.gather [hbm4b:s8+s2], $0x80, v4, vm0, $0xb8;
	[tilespmem:$0x8D00] =	vst v63  }
0x67: {  	v3 =	vperm.xlane v3, v1  }
0x68: {  	[tilespmem:s25], [sflag:$0x1] =	stream.indirect_vreg.gather [hbm4b:s9+s2], $0x80, v4, vm0, $0xb8;
	[tilespmem:$0x8D00] =	vst v63  }
0x69: {  	v3 =	vadd.s32 v0, v3  }
0x6a: {  	[tilespmem:s17], [sflag:$0x1] =	stream.indirect_vreg.gather [hbm4b:s10+s2], $0x80, v4, vm0, $0xb8;
	[tilespmem:$0x8D00] =	vst v63  }
0x6b: {  	_ = 	snop  }
0x6c: {  	[tilespmem:s18], [sflag:$0x1] =	stream.indirect_vreg.gather [hbm4b:s11+s2], $0x80, v4, vm0, $0xb8;
	[tilespmem:$0x8D00] =	vst v63  }
0x6d: {  	_ = 	snop  }
0x6e: {  	[tilespmem:s19], [sflag:$0x1] =	stream.indirect_vreg.gather [hbm4b:s4+s2], $0x80, v3, vm0, $0xb8;
	[tilespmem:$0x8D00] =	vst v63  }
0x6f: {  	_ = 	snop  }
0x70: {  	[tilespmem:s20], [sflag:$0x1] =	stream.indirect_vreg.gather [hbm4b:s5+s2], $0x80, v3, vm0, $0xb8;
	[tilespmem:$0x8D00] =	vst v63  }
0x71: {  	_ = 	snop  }
0x72: {  	[tilespmem:s21], [sflag:$0x1] =	stream.indirect_vreg.gather [hbm4b:s6+s2], $0x80, v3, vm0, $0xb8;
	[tilespmem:$0x8D00] =	vst v63  }
0x73: {  	_ = 	snop  }
0x74: {  	[tilespmem:s22], [sflag:$0x1] =	stream.indirect_vreg.gather [hbm4b:s7+s2], $0x80, v3, vm0, $0xb8;
	[tilespmem:$0x8D00] =	vst v63  }
0x75: {  	_ = 	snop  }
0x76: {  	[tilespmem:s23], [sflag:$0x1] =	stream.indirect_vreg.gather [hbm4b:s8+s2], $0x80, v3, vm0, $0xb8;
	[tilespmem:$0x8D00] =	vst v63  }
0x77: {  	_ = 	snop  }
0x78: {  	[tilespmem:s24], [sflag:$0x1] =	stream.indirect_vreg.gather [hbm4b:s9+s2], $0x80, v3, vm0, $0xb8;
	[tilespmem:$0x8D00] =	vst v63  }
0x79: {  	_ = 	snop  }
0x7a: {  	[tilespmem:s30], [sflag:$0x1] =	stream.indirect_vreg.gather [hbm4b:s10+s2], $0x80, v3, vm0, $0xb8;
	[tilespmem:$0x8D00] =	vst v63  }
0x7b: {  	_ = 	snop  }
0x7c: {  	[tilespmem:s31], [sflag:$0x1] =	stream.indirect_vreg.gather [hbm4b:s11+s2], $0x80, v3, vm0, $0xb8;
	[tilespmem:$0x8D00] =	vst v63  }
0x7d: {  	_ =	swait.ge [sflag:s13], $0x8000  }
0x7e: {  	[sflag:s13] =	ssyncset.done $0x0  }
0x7f: {  	s1 =	rddreg [dreg:$0x5];
	[sflag:s13] =	ssyncadd.s32 $0xFFFF8000  }
0x80: {  	[hbm4b:s1+s2] =	stream.linear.scatter [tilespmem:s12], [sflag:$0x2], $0x8000, $0x38;
	[tilespmem:$0x8D00] =	vst v63  }
0x81: {  	_ =	swait.ge [sflag:s3], $0x8000  }
0x82: {  	[sflag:s3] =	ssyncset.done $0x0  }
0x83: {  	s1 =	rddreg [dreg:$0x6];
	[sflag:s3] =	ssyncadd.s32 $0xFFFF8000  }
0x84: {  	[tilespmem:s14], [sflag:$0x2] =	stream.linear.gather [hbm4b:s1+s2], $0x18, $0x38;
	[tilespmem:$0x8D00] =	vst v63  }
0x85: {  	_ =	swait.ge [sflag:s3], $0x18  }
0x86: {  	[sflag:s3] =	ssyncset.done $0x0  }
0x87: {  	s1 =	rddreg [dreg:$0x3];
	[sflag:s3] =	ssyncadd.s32 $0xFFFFFFE8  }
0x88: {  	[tilespmem:s15], [sflag:$0x1] =	stream.indirect.gather [hbm4b:s1+s16], $0x80, s14, s16, $0xb8;
	[tilespmem:$0x8D00] =	vst v63  }
0x89: {  	p1 =	sne.s32 s0, $0x1;
	_ =	swait.ge [sflag:s13], $0xC00  }
.Ltmp2:
0x8a: {  	[sflag:s13] =	ssyncset.done $0x0;
	(pc) =	sbr.rel @p1 .LBB2_2-.Ltmp2, $4  }
0x8b: {  	s1 =	rddreg [dreg:$0x7];
	[sflag:s13] =	ssyncadd.s32 $0xFFFFF400  }
0x8c: {  	[hbm4b:s1+s2] =	stream.linear.scatter [tilespmem:s15], [sflag:$0x2], $0xC00, $0x38;
	[tilespmem:$0x8D00] =	vst v63  }
0x8d: {  	_ =	swait.ge [sflag:s3], $0xC00  }
0x8e: {  	s0 =	sadd.s32 $0xFFFFFFFF, s0;
	s1 =	rddreg [dreg:$0x4];
	[sflag:s3] =	ssyncset.done $0x0  }
.LBB2_3:
0x8f: {  	[sflag:s3] =	ssyncadd.s32 @p0 $0xFFFFF400  }
0x90: {  	[tilespmem:s2], [sflag:$0x2] =	stream.linear.gather [hbm4b:s1+s2], $0x10, $0x38;
	[tilespmem:$0x8D00] =	vst v63  }
0x91: {  	_ =	swait.ge [sflag:s3], $0x10  }
0x92: {  	[sflag:s3] =	ssyncset.done $0x0  }
0x93: {  	[sflag:s3] =	ssyncadd.s32 $0xFFFFFFF0  }
0x94: {  	v3 =	vld [tilespmem:$0x0];
	_ =	sdelay $0x4  }
0x95: {  	v4 =	vshll.u32 v3, $0x4  }
0x96: {  	v3 =	vand.u32 $0x7, v3;
	v4 =	vand.u32 $0xFFFFFF80, v4  }
0x97: {  	v3 =	vor.u32 v3, v4  }
0x98: {  	v2 =	vperm.xlane v3, v2;
	_ =	sdelay $0x1  }
0x99: {  	v2 =	vadd.s32 v0, v2;
	_ =	sdelay $0x4  }
0x9a: {  	[tilespmem:s12], [sflag:$0x1] =	stream.indirect_vreg.gather [hbm4b:s4+s2], $0x80, v2, vm0, $0xb8;
	[tilespmem:$0x8D00] =	vst v63  }
0x9b: {  	s0 =	rddreg [dreg:$0x8]  }
0x9c: {  	[tilespmem:s0], [sflag:$0x1] =	stream.indirect_vreg.gather [hbm4b:s5+s2], $0x80, v2, vm0, $0xb8;
	[tilespmem:$0x8D00] =	vst v63  }
0x9d: {  	_ = 	snop  }
0x9e: {  	[tilespmem:s26], [sflag:$0x1] =	stream.indirect_vreg.gather [hbm4b:s6+s2], $0x80, v2, vm0, $0xb8;
	[tilespmem:$0x8D00] =	vst v63  }
0x9f: {  	_ = 	snop  }
0xa0: {  	[tilespmem:s28], [sflag:$0x1] =	stream.indirect_vreg.gather [hbm4b:s7+s2], $0x80, v2, vm0, $0xb8;
	[tilespmem:$0x8D00] =	vst v63  }
0xa1: {  	_ = 	snop  }
0xa2: {  	[tilespmem:s29], [sflag:$0x1] =	stream.indirect_vreg.gather [hbm4b:s8+s2], $0x80, v2, vm0, $0xb8;
	[tilespmem:$0x8D00] =	vst v63  }
0xa3: {  	v1 =	vperm.xlane v3, v1  }
0xa4: {  	[tilespmem:s25], [sflag:$0x1] =	stream.indirect_vreg.gather [hbm4b:s9+s2], $0x80, v2, vm0, $0xb8;
	[tilespmem:$0x8D00] =	vst v63  }
0xa5: {  	v63 =	vadd.s32 v0, v1  }
0xa6: {  	[tilespmem:s17], [sflag:$0x1] =	stream.indirect_vreg.gather [hbm4b:s10+s2], $0x80, v2, vm0, $0xb8;
	[tilespmem:$0x8D00] =	vst v63  }
0xa7: {  	_ = 	snop  }
0xa8: {  	[tilespmem:s18], [sflag:$0x1] =	stream.indirect_vreg.gather [hbm4b:s11+s2], $0x80, v2, vm0, $0xb8;
	[tilespmem:$0x8D00] =	vst v63  }
0xa9: {  	_ = 	snop  }
0xaa: {  	[tilespmem:s19], [sflag:$0x1] =	stream.indirect_vreg.gather [hbm4b:s4+s2], $0x80, v63, vm0, $0xb8;
	[tilespmem:$0x8D00] =	vst v63  }
0xab: {  	_ = 	snop  }
0xac: {  	[tilespmem:s20], [sflag:$0x1] =	stream.indirect_vreg.gather [hbm4b:s5+s2], $0x80, v63, vm0, $0xb8;
	[tilespmem:$0x8D00] =	vst v63  }
0xad: {  	_ = 	snop  }
0xae: {  	[tilespmem:s21], [sflag:$0x1] =	stream.indirect_vreg.gather [hbm4b:s6+s2], $0x80, v63, vm0, $0xb8;
	[tilespmem:$0x8D00] =	vst v63  }
0xaf: {  	_ = 	snop  }
0xb0: {  	[tilespmem:s22], [sflag:$0x1] =	stream.indirect_vreg.gather [hbm4b:s7+s2], $0x80, v63, vm0, $0xb8;
	[tilespmem:$0x8D00] =	vst v63  }
0xb1: {  	_ = 	snop  }
0xb2: {  	[tilespmem:s23], [sflag:$0x1] =	stream.indirect_vreg.gather [hbm4b:s8+s2], $0x80, v63, vm0, $0xb8;
	[tilespmem:$0x8D00] =	vst v63  }
0xb3: {  	_ = 	snop  }
0xb4: {  	[tilespmem:s24], [sflag:$0x1] =	stream.indirect_vreg.gather [hbm4b:s9+s2], $0x80, v63, vm0, $0xb8;
	[tilespmem:$0x8D00] =	vst v63  }
0xb5: {  	_ = 	snop  }
0xb6: {  	[tilespmem:s30], [sflag:$0x1] =	stream.indirect_vreg.gather [hbm4b:s10+s2], $0x80, v63, vm0, $0xb8;
	[tilespmem:$0x8D00] =	vst v63  }
0xb7: {  	_ = 	snop  }
0xb8: {  	[tilespmem:s31], [sflag:$0x1] =	stream.indirect_vreg.gather [hbm4b:s11+s2], $0x80, v63, vm0, $0xb8;
	[tilespmem:$0x8D00] =	vst v63  }
0xb9: {  	_ =	swait.ge [sflag:s13], $0x8000  }
0xba: {  	[sflag:s13] =	ssyncset.done $0x0  }
0xbb: {  	s26 =	rddreg [dreg:$0x5];
	[sflag:s13] =	ssyncadd.s32 $0xFFFF8000  }
0xbc: {  	[hbm4b:s26+s2] =	stream.linear.scatter [tilespmem:s12], [sflag:$0x2], $0x8000, $0x38;
	[tilespmem:$0x8D00] =	vst v63  }
0xbd: {  	_ =	swait.ge [sflag:s3], $0x8000  }
0xbe: {  	[sflag:s3] =	ssyncset.done $0x0  }
0xbf: {  	s28 =	rddreg [dreg:$0x6];
	[sflag:s3] =	ssyncadd.s32 $0xFFFF8000  }
0xc0: {  	[tilespmem:s14], [sflag:$0x2] =	stream.linear.gather [hbm4b:s28+s2], $0x18, $0x38;
	[tilespmem:$0x8D00] =	vst v63  }
0xc1: {  	_ =	swait.ge [sflag:s3], $0x18  }
0xc2: {  	[sflag:s3] =	ssyncset.done $0x0  }
0xc3: {  	s29 =	rddreg [dreg:$0x3];
	[sflag:s3] =	ssyncadd.s32 $0xFFFFFFE8  }
0xc4: {  	[tilespmem:s15], [sflag:$0x1] =	stream.indirect.gather [hbm4b:s29+s16], $0x80, s14, s16, $0xb8;
	[tilespmem:$0x8D00] =	vst v63  }
0xc5: {  	_ =	swait.ge [sflag:s13], $0xC00  }
0xc6: {  	[sflag:s13] =	ssyncset.done $0x0  }
0xc7: {  	s30 =	rddreg [dreg:$0x7];
	[sflag:s13] =	ssyncadd.s32 $0xFFFFF400  }
0xc8: {  	[hbm4b:s30+s2] =	stream.linear.scatter [tilespmem:s15], [sflag:$0x2], $0xC00, $0x38;
	[tilespmem:$0x8D00] =	vst v63  }
0xc9: {  	_ =	swait.ge [sflag:s3], $0xC00  }
0xca: {  	[sflag:s3] =	ssyncset.done $0x0  }
0xcb: {  	[sflag:s3] =	ssyncadd.s32 $0xFFFFF400  }
0xcc: {  	_ =	sfence.sel $0x180000  }
0xcd: {  	[bflag:$0x0] =	sbarrier.arrive $0xFFFF  }
0xce: {  	_ =	strace $0x90000047  }
0xcf: {  	s31 =	stileid.u32;
	[bflag:$0x2] =	sbarrier.arrive $0xFFFF  }
0xd0: {  	p0 =	sne.s32 s31, $0x0;
	s0 =	rddreg [dreg:$0x2]  }
0xd1: {  	s0 =	sadd.s32 @!p0 $0x100000, s0  }
0xd2: {  	[sflag:s0] =	ssyncadd.tile.s32 @!p0 $0x1;
	_ =	shalt  }
.Lfunc_end2:
_tile_overlayer_lowered:
.L_overlay_start_2:
0xd3: {  	(tag) =	ssettag $0x2  }
0xd4: {  	s0 =	rddreg [dreg:$0x0];
	s2 =	stileid.u32  }
0xd5: {  	s1 =	rddreg [dreg:$0x1];
	p0 =	sne.s32 s2, $0x0  }
0xd6: {  	s3 =	rddreg [dreg:$0x2];
	[bflag:$0x3] =	sbarrier.arrive $0xFFFF;
	s2 =	simm.s32 @!p0 $0x1C02  }
0xd7: {  	[timem:s3], [sflag:s2] =	dma.local @!p0 [hbm:s0], s1  }
0xd8: {  	s0 =	simm.s32 @!p0 $0x2  }
0xd9: {  	_ =	swait.ge @!p0 [sflag:s0], s1  }
0xda: {  	s1 =	ssub.s32 @!p0 $0x0, s1;
	[sflag:s0] =	ssyncset.done @!p0 $0x0  }
0xdb: {  	[sflag:s0] =	ssyncadd.s32 @!p0 s1  }
0xdc: {  	[bflag:$0x3] =	sbarrier.arrive $0xFFFF  }
0xdd: {  	_ =	shalt  }

</sc_bundles>
